<compile_context>
chip_gen: v7x
topology: tpu7x:2x2x1
jax: 0.10.2.dev20260603
libtpu: 0.0.44.dev20260713+nightly
codegen_flags: <defaults>
</compile_context>

<pallas_src>
import functools

import jax
import jax.numpy as jnp
from jax import lax
from jax.experimental import pallas as pl
from jax.experimental.pallas import tpu as pltpu
from jax.experimental.pallas import tpu_sc as plsc

P = 128
D = 24576
B = 16 * 128
NC, NS = 2, 16
NQ = 1
DC = D // NQ
NG = P // 4
OWN = P // NG

_mesh = plsc.VectorSubcoreMesh(core_axis_name="c", subcore_axis_name="s")


@functools.partial(
    pl.kernel,
    mesh=_mesh,
    out_type=jax.ShapeDtypeStruct((B, NQ, DC), jnp.float32),
    scratch_types=[
        pltpu.VMEM((OWN, DC), jnp.float32),
        pltpu.VMEM((B,), jnp.int32),
        pltpu.SemaphoreType.DMA,
    ],
)
def _gather(idx_hbm, table_hbm, out_hbm, cache, idx_v, sem):
    w = lax.axis_index("s") * NC + lax.axis_index("c")
    rg = w // NQ
    q = w % NQ
    lo = rg * OWN
    pltpu.sync_copy(
        table_hbm.at[pl.ds(lo, OWN), pl.ds(q * DC, DC)], cache)
    pltpu.sync_copy(idx_hbm, idx_v)

    def body(g, cnt):
        vec = idx_v[pl.ds(g * 16, 16)]
        for k in range(16):
            rel = vec[k] - lo
            mine = (rel >= 0) & (rel < OWN)

            @pl.when(mine)
            def _():
                pltpu.async_copy(
                    cache.at[pl.ds(rel, 1)],
                    out_hbm.at[pl.ds(g * 16 + k, 1), q],
                    sem,
                )

            cnt = cnt + mine.astype(jnp.int32)
        return cnt

    cnt = lax.fori_loop(0, B // 16, body, jnp.int32(0))

    def drain(i, carry):
        pltpu.make_async_copy(
            cache.at[pl.ds(0, 1)],
            out_hbm.at[pl.ds(0, 1), q],
            sem,
        ).wait()
        return carry

    lax.fori_loop(0, cnt, drain, 0)


def kernel(prefix, table):
    idx = prefix.reshape(B).astype(jnp.int32)
    out = _gather(idx, table)
    return out.reshape(prefix.shape[0], prefix.shape[1], D)

# --- scband reference (transcript-rebuilt; emitter-appended) ---
"""Pipeline reference for scband-prefix-encoder-16174846836755 (READ-ONLY COPY).

The authoritative reference and input builder live on the scoring server;
editing this copy changes nothing except your own understanding.
"""

import jax, jax.numpy as jnp
import numpy as np

PREFIX_LENGTH = 128
NUM_LAYERS = 24
HIDDEN_SIZE = 1024
BATCH = 16
EMBED_DIM = NUM_LAYERS * HIDDEN_SIZE

def setup_inputs(seed: int = 0) -> dict:
    key = jax.random.key(seed)
    k1, k2 = jax.random.split(key)
    prefix = jax.random.randint(k1, (BATCH, PREFIX_LENGTH), 0, PREFIX_LENGTH, dtype=jnp.int64 if jax.config.jax_enable_x64 else jnp.int32)
    table = jax.random.normal(k2, (PREFIX_LENGTH, EMBED_DIM), dtype=jnp.float32) * 0.02
    return {"prefix": prefix, "table": table}

def reference(prefix, table):
    # nn.Embedding lookup: gather rows of the table by prefix ids
    past_key_values = jnp.take(table, prefix, axis=0)
    return past_key_values

if __name__ == "__main__":
    import jax
    _d = setup_inputs()
    print(jax.jit(kernel)(*tuple(_d.values())))

</pallas_src>

<mosaic_0001>
#map = affine_map<(d0, d1) -> (0)>
#map1 = affine_map<(d0, d1) -> (0, 0)>
#map2 = affine_map<(d0, d1) -> (0, 0, 0)>
module attributes {stable_mosaic.version = 14 : i64} {
  func.func @_gather(%arg0: i32, %arg1: i32, %arg2: memref<2048xi32, #tpu.memory_space<hbm>>, %arg3: memref<128x24576xf32, #tpu.memory_space<hbm>>, %arg4: memref<2048x1x24576xf32, #tpu.memory_space<hbm>>, %arg5: memref<4x24576xf32, #tpu.memory_space<vmem>>, %arg6: memref<2048xi32, #tpu.memory_space<vmem>>, %arg7: memref<!tpu.dma_semaphore, #tpu.memory_space<semaphore_mem>>) attributes {dimension_semantics = [#tpu.dimension_semantics<core_parallel>, #tpu.dimension_semantics<subcore_parallel>], iteration_bounds = array<i64: 2, 16>, scalar_prefetch = 0 : i64, scratch_operands = 3 : i64, tpu.core_type = #tpu.core_type<sc_vector_subcore>, window_params = [{transform_indices = #map}, {transform_indices = #map1}, {transform_indices = #map2}]} {
    %mul3A = arith.constant 2 : i32
    %mul3A_0 = arith.muli %arg1, %mul3A : i32
    %add3A = arith.addi %mul3A_0, %arg0 : i32
    %jit3A = arith.constant 1 : i32
    %div3A = arith.divsi %add3A, %jit3A : i32
    %sign3A = arith.constant 0 : i32
    %sign3A_1 = arith.cmpi sgt, %add3A, %sign3A : i32
    %sign3A_2 = arith.extui %sign3A_1 : i1 to i32
    %sign3A_3 = arith.constant 0 : i32
    %sign3A_4 = arith.cmpi slt, %add3A, %sign3A_3 : i32
    %sign3A_5 = arith.extui %sign3A_4 : i1 to i32
    %sign3A_6 = arith.subi %sign3A_2, %sign3A_5 : i32
    %sign3A_7 = arith.constant 0 : i32
    %sign3A_8 = arith.cmpi sgt, %jit3A, %sign3A_7 : i32
    %sign3A_9 = arith.extui %sign3A_8 : i1 to i32
    %sign3A_10 = arith.constant 0 : i32
    %sign3A_11 = arith.cmpi slt, %jit3A, %sign3A_10 : i32
    %sign3A_12 = arith.extui %sign3A_11 : i1 to i32
    %sign3A_13 = arith.subi %sign3A_9, %sign3A_12 : i32
    %ne3A = arith.cmpi ne, %sign3A_6, %sign3A_13 : i32
    %rem3A = arith.remsi %add3A, %jit3A : i32
    %ne3A_14 = arith.constant 0 : i32
    %ne3A_15 = arith.cmpi ne, %rem3A, %ne3A_14 : i32
    %and3A = arith.andi %ne3A, %ne3A_15 : i1
    %sub3A = arith.constant 1 : i32
    %sub3A_16 = arith.subi %div3A, %sub3A : i32
    %select_n3A = arith.select %and3A, %sub3A_16, %div3A : i32
    %jit3A_17 = arith.constant 1 : i32
    %eq3A = arith.constant 0 : i32
    %eq3A_18 = arith.cmpi eq, %jit3A_17, %eq3A : i32
    %jit3A_19 = arith.constant 1 : i32
    %select_n3A_20 = arith.select %eq3A_18, %jit3A_19, %jit3A_17 : i32
    %rem3A_21 = arith.remsi %add3A, %select_n3A_20 : i32
    %ne3A_22 = arith.constant 0 : i32
    %ne3A_23 = arith.cmpi ne, %rem3A_21, %ne3A_22 : i32
    %lt3A = arith.constant 0 : i32
    %lt3A_24 = arith.cmpi slt, %rem3A_21, %lt3A : i32
    %lt3A_25 = arith.constant 0 : i32
    %lt3A_26 = arith.cmpi slt, %select_n3A_20, %lt3A_25 : i32
    %ne3A_27 = arith.xori %lt3A_24, %lt3A_26 : i1
    %and3A_28 = arith.andi %ne3A_27, %ne3A_23 : i1
    %add3A_29 = arith.addi %rem3A_21, %select_n3A_20 : i32
    %select_n3A_30 = arith.select %and3A_28, %add3A_29, %rem3A_21 : i32
    %mul3A_31 = arith.constant 4 : i32
    %mul3A_32 = arith.muli %select_n3A, %mul3A_31 : i32
    %mul3A_33 = arith.constant 24576 : i32
    %mul3A_34 = arith.muli %select_n3A_30, %mul3A_33 : i32
    "tpu.region"() ({
      %run_scoped3A = tpu.sem_alloc : memref<!tpu.dma_semaphore, #tpu.memory_space<semaphore_mem>>
      %dma_start3A = tpu.memref_slice %arg3[%mul3A_32, %mul3A_34] : memref<128x24576xf32, #tpu.memory_space<hbm>> -> memref<4x24576xf32, #tpu.memory_space<hbm>>
      %dma_start3A_50 = tpu.memref_slice %arg3[%mul3A_32, %mul3A_34] : memref<128x24576xf32, #tpu.memory_space<hbm>> -> memref<4x24576xf32, #tpu.memory_space<hbm>>
      tpu.enqueue_dma source(%dma_start3A_50 : memref<4x24576xf32, #tpu.memory_space<hbm>>) target(%arg5 : memref<4x24576xf32, #tpu.memory_space<vmem>>) target_semaphore(%run_scoped3A : memref<!tpu.dma_semaphore, #tpu.memory_space<semaphore_mem>>)
      %dma_wait3A = tpu.memref_slice %arg3[%mul3A_32, %mul3A_34] : memref<128x24576xf32, #tpu.memory_space<hbm>> -> memref<4x24576xf32, #tpu.memory_space<hbm>>
      %dma_wait3A_51 = tpu.memref_slice %arg3[%mul3A_32, %mul3A_34] : memref<128x24576xf32, #tpu.memory_space<hbm>> -> memref<4x24576xf32, #tpu.memory_space<hbm>>
      tpu.wait_dma2 semaphore(%run_scoped3A : memref<!tpu.dma_semaphore, #tpu.memory_space<semaphore_mem>>) src(%dma_wait3A_51 : memref<4x24576xf32, #tpu.memory_space<hbm>>) dst(%arg5 : memref<4x24576xf32, #tpu.memory_space<vmem>>)
      tpu.yield
    }) : () -> ()
    "tpu.region"() ({
      %run_scoped3A = tpu.sem_alloc : memref<!tpu.dma_semaphore, #tpu.memory_space<semaphore_mem>>
      tpu.enqueue_dma source(%arg2 : memref<2048xi32, #tpu.memory_space<hbm>>) target(%arg6 : memref<2048xi32, #tpu.memory_space<vmem>>) target_semaphore(%run_scoped3A : memref<!tpu.dma_semaphore, #tpu.memory_space<semaphore_mem>>)
      tpu.wait_dma2 semaphore(%run_scoped3A : memref<!tpu.dma_semaphore, #tpu.memory_space<semaphore_mem>>) src(%arg2 : memref<2048xi32, #tpu.memory_space<hbm>>) dst(%arg6 : memref<2048xi32, #tpu.memory_space<vmem>>)
      tpu.yield
    }) : () -> ()
    %scan3A = arith.constant 0 : i32
    %scan3A_35 = arith.constant 0 : i32
    %scan3A_36 = arith.constant 128 : i32
    %scan3A_37 = arith.addi %scan3A_35, %scan3A_36 : i32
    %scan3A_38 = arith.constant 1 : i32
    %scan3A_39 = scf.for %scan3A_50 = %scan3A_35 to %scan3A_37 step %scan3A_38 iter_args(%scan3A_51 = %scan3A) -> (i32)  : i32 {
      %mul3A_52 = arith.constant 16 : i32
      %mul3A_53 = arith.muli %scan3A_50, %mul3A_52 : i32
      %get3A = arith.index_cast %mul3A_53 : i32 to index
      %get3A_54 = tpu.vector_load %arg6[%get3A] {strides = array<i32>} : memref<2048xi32, #tpu.memory_space<vmem>>, vector<16xi32>,
      %get3A_55 = vector.shape_cast %get3A_54 : vector<16xi32> to vector<16xi32>
      %slice3A = vector.extract_strided_slice %get3A_55 {offsets = [0], sizes = [1], strides = [1]} : vector<16xi32> to vector<1xi32>
      %squeeze3A = vector.extract %slice3A[0] : i32 from vector<1xi32>
      %sub3A_56 = arith.subi %squeeze3A, %mul3A_32 : i32
      %ge3A = arith.constant 0 : i32
      %ge3A_57 = arith.cmpi sge, %sub3A_56, %ge3A : i32
      %lt3A_58 = arith.constant 4 : i32
      %lt3A_59 = arith.cmpi slt, %sub3A_56, %lt3A_58 : i32
      %and3A_60 = arith.andi %ge3A_57, %lt3A_59 : i1
      %convert_element_type3A = arith.extui %and3A_60 : i1 to i32
      %cond3A = arith.constant 0 : i32
      %cond3A_61 = arith.cmpi ne, %convert_element_type3A, %cond3A : i32
      scf.if %cond3A_61 {
        %mul3A_259 = arith.constant 16 : i32
        %mul3A_260 = arith.muli %scan3A_50, %mul3A_259 : i32
        %add3A_261 = arith.constant 0 : i32
        %add3A_262 = arith.addi %mul3A_260, %add3A_261 : i32
        %dma_start3A = arith.constant 0 : i32
        %dma_start3A_263 = tpu.memref_slice %arg5[%sub3A_56, %dma_start3A] : memref<4x24576xf32, #tpu.memory_space<vmem>> -> memref<1x24576xf32, #tpu.memory_space<vmem>>
        %dma_start3A_264 = arith.constant 0 : i32
        %dma_start3A_265 = tpu.memref_slice %arg4[%add3A_262, %select_n3A_30, %dma_start3A_264] : memref<2048x1x24576xf32, #tpu.memory_space<hbm>> -> memref<1x1x24576xf32, #tpu.memory_space<hbm>>
        %dma_start3A_266 = tpu.memref_squeeze %dma_start3A_265 : memref<1x1x24576xf32, #tpu.memory_space<hbm>> -> memref<1x24576xf32, #tpu.memory_space<hbm>>
        %dma_start3A_267 = arith.constant 0 : i32
        %dma_start3A_268 = tpu.memref_slice %arg4[%add3A_262, %select_n3A_30, %dma_start3A_267] : memref<2048x1x24576xf32, #tpu.memory_space<hbm>> -> memref<1x1x24576xf32, #tpu.memory_space<hbm>>
        %dma_start3A_269 = tpu.memref_squeeze %dma_start3A_268 : memref<1x1x24576xf32, #tpu.memory_space<hbm>> -> memref<1x24576xf32, #tpu.memory_space<hbm>>
        %dma_start3A_270 = arith.constant 0 : i32
        %dma_start3A_271 = tpu.memref_slice %arg5[%sub3A_56, %dma_start3A_270] : memref<4x24576xf32, #tpu.memory_space<vmem>> -> memref<1x24576xf32, #tpu.memory_space<vmem>>
        tpu.enqueue_dma source(%dma_start3A_271 : memref<1x24576xf32, #tpu.memory_space<vmem>>) target(%dma_start3A_269 : memref<1x24576xf32, #tpu.memory_space<hbm>>) target_semaphore(%arg7 : memref<!tpu.dma_semaphore, #tpu.memory_space<semaphore_mem>>)
      } else {
      }
      %convert_element_type3A_62 = arith.extui %and3A_60 : i1 to i32
      %add3A_63 = arith.addi %scan3A_51, %convert_element_type3A_62 : i32
      %slice3A_64 = vector.extract_strided_slice %get3A_55 {offsets = [1], sizes = [1], strides = [1]} : vector<16xi32> to vector<1xi32>
      %squeeze3A_65 = vector.extract %slice3A_64[0] : i32 from vector<1xi32>
      %sub3A_66 = arith.subi %squeeze3A_65, %mul3A_32 : i32
      %ge3A_67 = arith.constant 0 : i32
      %ge3A_68 = arith.cmpi sge, %sub3A_66, %ge3A_67 : i32
      %lt3A_69 = arith.constant 4 : i32
      %lt3A_70 = arith.cmpi slt, %sub3A_66, %lt3A_69 : i32
      %and3A_71 = arith.andi %ge3A_68, %lt3A_70 : i1
      %convert_element_type3A_72 = arith.extui %and3A_71 : i1 to i32
      %cond3A_73 = arith.constant 0 : i32
      %cond3A_74 = arith.cmpi ne, %convert_element_type3A_72, %cond3A_73 : i32
      scf.if %cond3A_74 {
        %mul3A_259 = arith.constant 16 : i32
        %mul3A_260 = arith.muli %scan3A_50, %mul3A_259 : i32
        %add3A_261 = arith.constant 1 : i32
        %add3A_262 = arith.addi %mul3A_260, %add3A_261 : i32
        %dma_start3A = arith.constant 0 : i32
        %dma_start3A_263 = tpu.memref_slice %arg5[%sub3A_66, %dma_start3A] : memref<4x24576xf32, #tpu.memory_space<vmem>> -> memref<1x24576xf32, #tpu.memory_space<vmem>>
        %dma_start3A_264 = arith.constant 0 : i32
        %dma_start3A_265 = tpu.memref_slice %arg4[%add3A_262, %select_n3A_30, %dma_start3A_264] : memref<2048x1x24576xf32, #tpu.memory_space<hbm>> -> memref<1x1x24576xf32, #tpu.memory_space<hbm>>
        %dma_start3A_266 = tpu.memref_squeeze %dma_start3A_265 : memref<1x1x24576xf32, #tpu.memory_space<hbm>> -> memref<1x24576xf32, #tpu.memory_space<hbm>>
        %dma_start3A_267 = arith.constant 0 : i32
        %dma_start3A_268 = tpu.memref_slice %arg4[%add3A_262, %select_n3A_30, %dma_start3A_267] : memref<2048x1x24576xf32, #tpu.memory_space<hbm>> -> memref<1x1x24576xf32, #tpu.memory_space<hbm>>
        %dma_start3A_269 = tpu.memref_squeeze %dma_start3A_268 : memref<1x1x24576xf32, #tpu.memory_space<hbm>> -> memref<1x24576xf32, #tpu.memory_space<hbm>>
        %dma_start3A_270 = arith.constant 0 : i32
        %dma_start3A_271 = tpu.memref_slice %arg5[%sub3A_66, %dma_start3A_270] : memref<4x24576xf32, #tpu.memory_space<vmem>> -> memref<1x24576xf32, #tpu.memory_space<vmem>>
        tpu.enqueue_dma source(%dma_start3A_271 : memref<1x24576xf32, #tpu.memory_space<vmem>>) target(%dma_start3A_269 : memref<1x24576xf32, #tpu.memory_space<hbm>>) target_semaphore(%arg7 : memref<!tpu.dma_semaphore, #tpu.memory_space<semaphore_mem>>)
      } else {
      }
      %convert_element_type3A_75 = arith.extui %and3A_71 : i1 to i32
      %add3A_76 = arith.addi %add3A_63, %convert_element_type3A_75 : i32
      %slice3A_77 = vector.extract_strided_slice %get3A_55 {offsets = [2], sizes = [1], strides = [1]} : vector<16xi32> to vector<1xi32>
      %squeeze3A_78 = vector.extract %slice3A_77[0] : i32 from vector<1xi32>
      %sub3A_79 = arith.subi %squeeze3A_78, %mul3A_32 : i32
      %ge3A_80 = arith.constant 0 : i32
      %ge3A_81 = arith.cmpi sge, %sub3A_79, %ge3A_80 : i32
      %lt3A_82 = arith.constant 4 : i32
      %lt3A_83 = arith.cmpi slt, %sub3A_79, %lt3A_82 : i32
      %and3A_84 = arith.andi %ge3A_81, %lt3A_83 : i1
      %convert_element_type3A_85 = arith.extui %and3A_84 : i1 to i32
      %cond3A_86 = arith.constant 0 : i32
      %cond3A_87 = arith.cmpi ne, %convert_element_type3A_85, %cond3A_86 : i32
      scf.if %cond3A_87 {
        %mul3A_259 = arith.constant 16 : i32
        %mul3A_260 = arith.muli %scan3A_50, %mul3A_259 : i32
        %add3A_261 = arith.constant 2 : i32
        %add3A_262 = arith.addi %mul3A_260, %add3A_261 : i32
        %dma_start3A = arith.constant 0 : i32
        %dma_start3A_263 = tpu.memref_slice %arg5[%sub3A_79, %dma_start3A] : memref<4x24576xf32, #tpu.memory_space<vmem>> -> memref<1x24576xf32, #tpu.memory_space<vmem>>
        %dma_start3A_264 = arith.constant 0 : i32
        %dma_start3A_265 = tpu.memref_slice %arg4[%add3A_262, %select_n3A_30, %dma_start3A_264] : memref<2048x1x24576xf32, #tpu.memory_space<hbm>> -> memref<1x1x24576xf32, #tpu.memory_space<hbm>>
        %dma_start3A_266 = tpu.memref_squeeze %dma_start3A_265 : memref<1x1x24576xf32, #tpu.memory_space<hbm>> -> memref<1x24576xf32, #tpu.memory_space<hbm>>
        %dma_start3A_267 = arith.constant 0 : i32
        %dma_start3A_268 = tpu.memref_slice %arg4[%add3A_262, %select_n3A_30, %dma_start3A_267] : memref<2048x1x24576xf32, #tpu.memory_space<hbm>> -> memref<1x1x24576xf32, #tpu.memory_space<hbm>>
        %dma_start3A_269 = tpu.memref_squeeze %dma_start3A_268 : memref<1x1x24576xf32, #tpu.memory_space<hbm>> -> memref<1x24576xf32, #tpu.memory_space<hbm>>
        %dma_start3A_270 = arith.constant 0 : i32
        %dma_start3A_271 = tpu.memref_slice %arg5[%sub3A_79, %dma_start3A_270] : memref<4x24576xf32, #tpu.memory_space<vmem>> -> memref<1x24576xf32, #tpu.memory_space<vmem>>
        tpu.enqueue_dma source(%dma_start3A_271 : memref<1x24576xf32, #tpu.memory_space<vmem>>) target(%dma_start3A_269 : memref<1x24576xf32, #tpu.memory_space<hbm>>) target_semaphore(%arg7 : memref<!tpu.dma_semaphore, #tpu.memory_space<semaphore_mem>>)
      } else {
      }
      %convert_element_type3A_88 = arith.extui %and3A_84 : i1 to i32
      %add3A_89 = arith.addi %add3A_76, %convert_element_type3A_88 : i32
      %slice3A_90 = vector.extract_strided_slice %get3A_55 {offsets = [3], sizes = [1], strides = [1]} : vector<16xi32> to vector<1xi32>
      %squeeze3A_91 = vector.extract %slice3A_90[0] : i32 from vector<1xi32>
      %sub3A_92 = arith.subi %squeeze3A_91, %mul3A_32 : i32
      %ge3A_93 = arith.constant 0 : i32
      %ge3A_94 = arith.cmpi sge, %sub3A_92, %ge3A_93 : i32
      %lt3A_95 = arith.constant 4 : i32
      %lt3A_96 = arith.cmpi slt, %sub3A_92, %lt3A_95 : i32
      %and3A_97 = arith.andi %ge3A_94, %lt3A_96 : i1
      %convert_element_type3A_98 = arith.extui %and3A_97 : i1 to i32
      %cond3A_99 = arith.constant 0 : i32
      %cond3A_100 = arith.cmpi ne, %convert_element_type3A_98, %cond3A_99 : i32
      scf.if %cond3A_100 {
        %mul3A_259 = arith.constant 16 : i32
        %mul3A_260 = arith.muli %scan3A_50, %mul3A_259 : i32
        %add3A_261 = arith.constant 3 : i32
        %add3A_262 = arith.addi %mul3A_260, %add3A_261 : i32
        %dma_start3A = arith.constant 0 : i32
        %dma_start3A_263 = tpu.memref_slice %arg5[%sub3A_92, %dma_start3A] : memref<4x24576xf32, #tpu.memory_space<vmem>> -> memref<1x24576xf32, #tpu.memory_space<vmem>>
        %dma_start3A_264 = arith.constant 0 : i32
        %dma_start3A_265 = tpu.memref_slice %arg4[%add3A_262, %select_n3A_30, %dma_start3A_264] : memref<2048x1x24576xf32, #tpu.memory_space<hbm>> -> memref<1x1x24576xf32, #tpu.memory_space<hbm>>
        %dma_start3A_266 = tpu.memref_squeeze %dma_start3A_265 : memref<1x1x24576xf32, #tpu.memory_space<hbm>> -> memref<1x24576xf32, #tpu.memory_space<hbm>>
        %dma_start3A_267 = arith.constant 0 : i32
        %dma_start3A_268 = tpu.memref_slice %arg4[%add3A_262, %select_n3A_30, %dma_start3A_267] : memref<2048x1x24576xf32, #tpu.memory_space<hbm>> -> memref<1x1x24576xf32, #tpu.memory_space<hbm>>
        %dma_start3A_269 = tpu.memref_squeeze %dma_start3A_268 : memref<1x1x24576xf32, #tpu.memory_space<hbm>> -> memref<1x24576xf32, #tpu.memory_space<hbm>>
        %dma_start3A_270 = arith.constant 0 : i32
        %dma_start3A_271 = tpu.memref_slice %arg5[%sub3A_92, %dma_start3A_270] : memref<4x24576xf32, #tpu.memory_space<vmem>> -> memref<1x24576xf32, #tpu.memory_space<vmem>>
        tpu.enqueue_dma source(%dma_start3A_271 : memref<1x24576xf32, #tpu.memory_space<vmem>>) target(%dma_start3A_269 : memref<1x24576xf32, #tpu.memory_space<hbm>>) target_semaphore(%arg7 : memref<!tpu.dma_semaphore, #tpu.memory_space<semaphore_mem>>)
      } else {
      }
      %convert_element_type3A_101 = arith.extui %and3A_97 : i1 to i32
      %add3A_102 = arith.addi %add3A_89, %convert_element_type3A_101 : i32
      %slice3A_103 = vector.extract_strided_slice %get3A_55 {offsets = [4], sizes = [1], strides = [1]} : vector<16xi32> to vector<1xi32>
      %squeeze3A_104 = vector.extract %slice3A_103[0] : i32 from vector<1xi32>
      %sub3A_105 = arith.subi %squeeze3A_104, %mul3A_32 : i32
      %ge3A_106 = arith.constant 0 : i32
      %ge3A_107 = arith.cmpi sge, %sub3A_105, %ge3A_106 : i32
      %lt3A_108 = arith.constant 4 : i32
      %lt3A_109 = arith.cmpi slt, %sub3A_105, %lt3A_108 : i32
      %and3A_110 = arith.andi %ge3A_107, %lt3A_109 : i1
      %convert_element_type3A_111 = arith.extui %and3A_110 : i1 to i32
      %cond3A_112 = arith.constant 0 : i32
      %cond3A_113 = arith.cmpi ne, %convert_element_type3A_111, %cond3A_112 : i32
      scf.if %cond3A_113 {
        %mul3A_259 = arith.constant 16 : i32
        %mul3A_260 = arith.muli %scan3A_50, %mul3A_259 : i32
        %add3A_261 = arith.constant 4 : i32
        %add3A_262 = arith.addi %mul3A_260, %add3A_261 : i32
        %dma_start3A = arith.constant 0 : i32
        %dma_start3A_263 = tpu.memref_slice %arg5[%sub3A_105, %dma_start3A] : memref<4x24576xf32, #tpu.memory_space<vmem>> -> memref<1x24576xf32, #tpu.memory_space<vmem>>
        %dma_start3A_264 = arith.constant 0 : i32
        %dma_start3A_265 = tpu.memref_slice %arg4[%add3A_262, %select_n3A_30, %dma_start3A_264] : memref<2048x1x24576xf32, #tpu.memory_space<hbm>> -> memref<1x1x24576xf32, #tpu.memory_space<hbm>>
        %dma_start3A_266 = tpu.memref_squeeze %dma_start3A_265 : memref<1x1x24576xf32, #tpu.memory_space<hbm>> -> memref<1x24576xf32, #tpu.memory_space<hbm>>
        %dma_start3A_267 = arith.constant 0 : i32
        %dma_start3A_268 = tpu.memref_slice %arg4[%add3A_262, %select_n3A_30, %dma_start3A_267] : memref<2048x1x24576xf32, #tpu.memory_space<hbm>> -> memref<1x1x24576xf32, #tpu.memory_space<hbm>>
        %dma_start3A_269 = tpu.memref_squeeze %dma_start3A_268 : memref<1x1x24576xf32, #tpu.memory_space<hbm>> -> memref<1x24576xf32, #tpu.memory_space<hbm>>
        %dma_start3A_270 = arith.constant 0 : i32
        %dma_start3A_271 = tpu.memref_slice %arg5[%sub3A_105, %dma_start3A_270] : memref<4x24576xf32, #tpu.memory_space<vmem>> -> memref<1x24576xf32, #tpu.memory_space<vmem>>
        tpu.enqueue_dma source(%dma_start3A_271 : memref<1x24576xf32, #tpu.memory_space<vmem>>) target(%dma_start3A_269 : memref<1x24576xf32, #tpu.memory_space<hbm>>) target_semaphore(%arg7 : memref<!tpu.dma_semaphore, #tpu.memory_space<semaphore_mem>>)
      } else {
      }
      %convert_element_type3A_114 = arith.extui %and3A_110 : i1 to i32
      %add3A_115 = arith.addi %add3A_102, %convert_element_type3A_114 : i32
      %slice3A_116 = vector.extract_strided_slice %get3A_55 {offsets = [5], sizes = [1], strides = [1]} : vector<16xi32> to vector<1xi32>
      %squeeze3A_117 = vector.extract %slice3A_116[0] : i32 from vector<1xi32>
      %sub3A_118 = arith.subi %squeeze3A_117, %mul3A_32 : i32
      %ge3A_119 = arith.constant 0 : i32
      %ge3A_120 = arith.cmpi sge, %sub3A_118, %ge3A_119 : i32
      %lt3A_121 = arith.constant 4 : i32
      %lt3A_122 = arith.cmpi slt, %sub3A_118, %lt3A_121 : i32
      %and3A_123 = arith.andi %ge3A_120, %lt3A_122 : i1
      %convert_element_type3A_124 = arith.extui %and3A_123 : i1 to i32
      %cond3A_125 = arith.constant 0 : i32
      %cond3A_126 = arith.cmpi ne, %convert_element_type3A_124, %cond3A_125 : i32
      scf.if %cond3A_126 {
        %mul3A_259 = arith.constant 16 : i32
        %mul3A_260 = arith.muli %scan3A_50, %mul3A_259 : i32
        %add3A_261 = arith.constant 5 : i32
        %add3A_262 = arith.addi %mul3A_260, %add3A_261 : i32
        %dma_start3A = arith.constant 0 : i32
        %dma_start3A_263 = tpu.memref_slice %arg5[%sub3A_118, %dma_start3A] : memref<4x24576xf32, #tpu.memory_space<vmem>> -> memref<1x24576xf32, #tpu.memory_space<vmem>>
        %dma_start3A_264 = arith.constant 0 : i32
        %dma_start3A_265 = tpu.memref_slice %arg4[%add3A_262, %select_n3A_30, %dma_start3A_264] : memref<2048x1x24576xf32, #tpu.memory_space<hbm>> -> memref<1x1x24576xf32, #tpu.memory_space<hbm>>
        %dma_start3A_266 = tpu.memref_squeeze %dma_start3A_265 : memref<1x1x24576xf32, #tpu.memory_space<hbm>> -> memref<1x24576xf32, #tpu.memory_space<hbm>>
        %dma_start3A_267 = arith.constant 0 : i32
        %dma_start3A_268 = tpu.memref_slice %arg4[%add3A_262, %select_n3A_30, %dma_start3A_267] : memref<2048x1x24576xf32, #tpu.memory_space<hbm>> -> memref<1x1x24576xf32, #tpu.memory_space<hbm>>
        %dma_start3A_269 = tpu.memref_squeeze %dma_start3A_268 : memref<1x1x24576xf32, #tpu.memory_space<hbm>> -> memref<1x24576xf32, #tpu.memory_space<hbm>>
        %dma_start3A_270 = arith.constant 0 : i32
        %dma_start3A_271 = tpu.memref_slice %arg5[%sub3A_118, %dma_start3A_270] : memref<4x24576xf32, #tpu.memory_space<vmem>> -> memref<1x24576xf32, #tpu.memory_space<vmem>>
        tpu.enqueue_dma source(%dma_start3A_271 : memref<1x24576xf32, #tpu.memory_space<vmem>>) target(%dma_start3A_269 : memref<1x24576xf32, #tpu.memory_space<hbm>>) target_semaphore(%arg7 : memref<!tpu.dma_semaphore, #tpu.memory_space<semaphore_mem>>)
      } else {
      }
      %convert_element_type3A_127 = arith.extui %and3A_123 : i1 to i32
      %add3A_128 = arith.addi %add3A_115, %convert_element_type3A_127 : i32
      %slice3A_129 = vector.extract_strided_slice %get3A_55 {offsets = [6], sizes = [1], strides = [1]} : vector<16xi32> to vector<1xi32>
      %squeeze3A_130 = vector.extract %slice3A_129[0] : i32 from vector<1xi32>
      %sub3A_131 = arith.subi %squeeze3A_130, %mul3A_32 : i32
      %ge3A_132 = arith.constant 0 : i32
      %ge3A_133 = arith.cmpi sge, %sub3A_131, %ge3A_132 : i32
      %lt3A_134 = arith.constant 4 : i32
      %lt3A_135 = arith.cmpi slt, %sub3A_131, %lt3A_134 : i32
      %and3A_136 = arith.andi %ge3A_133, %lt3A_135 : i1
      %convert_element_type3A_137 = arith.extui %and3A_136 : i1 to i32
      %cond3A_138 = arith.constant 0 : i32
      %cond3A_139 = arith.cmpi ne, %convert_element_type3A_137, %cond3A_138 : i32
      scf.if %cond3A_139 {
        %mul3A_259 = arith.constant 16 : i32
        %mul3A_260 = arith.muli %scan3A_50, %mul3A_259 : i32
        %add3A_261 = arith.constant 6 : i32
        %add3A_262 = arith.addi %mul3A_260, %add3A_261 : i32
        %dma_start3A = arith.constant 0 : i32
        %dma_start3A_263 = tpu.memref_slice %arg5[%sub3A_131, %dma_start3A] : memref<4x24576xf32, #tpu.memory_space<vmem>> -> memref<1x24576xf32, #tpu.memory_space<vmem>>
        %dma_start3A_264 = arith.constant 0 : i32
        %dma_start3A_265 = tpu.memref_slice %arg4[%add3A_262, %select_n3A_30, %dma_start3A_264] : memref<2048x1x24576xf32, #tpu.memory_space<hbm>> -> memref<1x1x24576xf32, #tpu.memory_space<hbm>>
        %dma_start3A_266 = tpu.memref_squeeze %dma_start3A_265 : memref<1x1x24576xf32, #tpu.memory_space<hbm>> -> memref<1x24576xf32, #tpu.memory_space<hbm>>
        %dma_start3A_267 = arith.constant 0 : i32
        %dma_start3A_268 = tpu.memref_slice %arg4[%add3A_262, %select_n3A_30, %dma_start3A_267] : memref<2048x1x24576xf32, #tpu.memory_space<hbm>> -> memref<1x1x24576xf32, #tpu.memory_space<hbm>>
        %dma_start3A_269 = tpu.memref_squeeze %dma_start3A_268 : memref<1x1x24576xf32, #tpu.memory_space<hbm>> -> memref<1x24576xf32, #tpu.memory_space<hbm>>
        %dma_start3A_270 = arith.constant 0 : i32
        %dma_start3A_271 = tpu.memref_slice %arg5[%sub3A_131, %dma_start3A_270] : memref<4x24576xf32, #tpu.memory_space<vmem>> -> memref<1x24576xf32, #tpu.memory_space<vmem>>
        tpu.enqueue_dma source(%dma_start3A_271 : memref<1x24576xf32, #tpu.memory_space<vmem>>) target(%dma_start3A_269 : memref<1x24576xf32, #tpu.memory_space<hbm>>) target_semaphore(%arg7 : memref<!tpu.dma_semaphore, #tpu.memory_space<semaphore_mem>>)
      } else {
      }
      %convert_element_type3A_140 = arith.extui %and3A_136 : i1 to i32
      %add3A_141 = arith.addi %add3A_128, %convert_element_type3A_140 : i32
      %slice3A_142 = vector.extract_strided_slice %get3A_55 {offsets = [7], sizes = [1], strides = [1]} : vector<16xi32> to vector<1xi32>
      %squeeze3A_143 = vector.extract %slice3A_142[0] : i32 from vector<1xi32>
      %sub3A_144 = arith.subi %squeeze3A_143, %mul3A_32 : i32
      %ge3A_145 = arith.constant 0 : i32
      %ge3A_146 = arith.cmpi sge, %sub3A_144, %ge3A_145 : i32
      %lt3A_147 = arith.constant 4 : i32
      %lt3A_148 = arith.cmpi slt, %sub3A_144, %lt3A_147 : i32
      %and3A_149 = arith.andi %ge3A_146, %lt3A_148 : i1
      %convert_element_type3A_150 = arith.extui %and3A_149 : i1 to i32
      %cond3A_151 = arith.constant 0 : i32
      %cond3A_152 = arith.cmpi ne, %convert_element_type3A_150, %cond3A_151 : i32
      scf.if %cond3A_152 {
        %mul3A_259 = arith.constant 16 : i32
        %mul3A_260 = arith.muli %scan3A_50, %mul3A_259 : i32
        %add3A_261 = arith.constant 7 : i32
        %add3A_262 = arith.addi %mul3A_260, %add3A_261 : i32
        %dma_start3A = arith.constant 0 : i32
        %dma_start3A_263 = tpu.memref_slice %arg5[%sub3A_144, %dma_start3A] : memref<4x24576xf32, #tpu.memory_space<vmem>> -> memref<1x24576xf32, #tpu.memory_space<vmem>>
        %dma_start3A_264 = arith.constant 0 : i32
        %dma_start3A_265 = tpu.memref_slice %arg4[%add3A_262, %select_n3A_30, %dma_start3A_264] : memref<2048x1x24576xf32, #tpu.memory_space<hbm>> -> memref<1x1x24576xf32, #tpu.memory_space<hbm>>
        %dma_start3A_266 = tpu.memref_squeeze %dma_start3A_265 : memref<1x1x24576xf32, #tpu.memory_space<hbm>> -> memref<1x24576xf32, #tpu.memory_space<hbm>>
        %dma_start3A_267 = arith.constant 0 : i32
        %dma_start3A_268 = tpu.memref_slice %arg4[%add3A_262, %select_n3A_30, %dma_start3A_267] : memref<2048x1x24576xf32, #tpu.memory_space<hbm>> -> memref<1x1x24576xf32, #tpu.memory_space<hbm>>
        %dma_start3A_269 = tpu.memref_squeeze %dma_start3A_268 : memref<1x1x24576xf32, #tpu.memory_space<hbm>> -> memref<1x24576xf32, #tpu.memory_space<hbm>>
        %dma_start3A_270 = arith.constant 0 : i32
        %dma_start3A_271 = tpu.memref_slice %arg5[%sub3A_144, %dma_start3A_270] : memref<4x24576xf32, #tpu.memory_space<vmem>> -> memref<1x24576xf32, #tpu.memory_space<vmem>>
        tpu.enqueue_dma source(%dma_start3A_271 : memref<1x24576xf32, #tpu.memory_space<vmem>>) target(%dma_start3A_269 : memref<1x24576xf32, #tpu.memory_space<hbm>>) target_semaphore(%arg7 : memref<!tpu.dma_semaphore, #tpu.memory_space<semaphore_mem>>)
      } else {
      }
      %convert_element_type3A_153 = arith.extui %and3A_149 : i1 to i32
      %add3A_154 = arith.addi %add3A_141, %convert_element_type3A_153 : i32
      %slice3A_155 = vector.extract_strided_slice %get3A_55 {offsets = [8], sizes = [1], strides = [1]} : vector<16xi32> to vector<1xi32>
      %squeeze3A_156 = vector.extract %slice3A_155[0] : i32 from vector<1xi32>
      %sub3A_157 = arith.subi %squeeze3A_156, %mul3A_32 : i32
      %ge3A_158 = arith.constant 0 : i32
      %ge3A_159 = arith.cmpi sge, %sub3A_157, %ge3A_158 : i32
      %lt3A_160 = arith.constant 4 : i32
      %lt3A_161 = arith.cmpi slt, %sub3A_157, %lt3A_160 : i32
      %and3A_162 = arith.andi %ge3A_159, %lt3A_161 : i1
      %convert_element_type3A_163 = arith.extui %and3A_162 : i1 to i32
      %cond3A_164 = arith.constant 0 : i32
      %cond3A_165 = arith.cmpi ne, %convert_element_type3A_163, %cond3A_164 : i32
      scf.if %cond3A_165 {
        %mul3A_259 = arith.constant 16 : i32
        %mul3A_260 = arith.muli %scan3A_50, %mul3A_259 : i32
        %add3A_261 = arith.constant 8 : i32
        %add3A_262 = arith.addi %mul3A_260, %add3A_261 : i32
        %dma_start3A = arith.constant 0 : i32
        %dma_start3A_263 = tpu.memref_slice %arg5[%sub3A_157, %dma_start3A] : memref<4x24576xf32, #tpu.memory_space<vmem>> -> memref<1x24576xf32, #tpu.memory_space<vmem>>
        %dma_start3A_264 = arith.constant 0 : i32
        %dma_start3A_265 = tpu.memref_slice %arg4[%add3A_262, %select_n3A_30, %dma_start3A_264] : memref<2048x1x24576xf32, #tpu.memory_space<hbm>> -> memref<1x1x24576xf32, #tpu.memory_space<hbm>>
        %dma_start3A_266 = tpu.memref_squeeze %dma_start3A_265 : memref<1x1x24576xf32, #tpu.memory_space<hbm>> -> memref<1x24576xf32, #tpu.memory_space<hbm>>
        %dma_start3A_267 = arith.constant 0 : i32
        %dma_start3A_268 = tpu.memref_slice %arg4[%add3A_262, %select_n3A_30, %dma_start3A_267] : memref<2048x1x24576xf32, #tpu.memory_space<hbm>> -> memref<1x1x24576xf32, #tpu.memory_space<hbm>>
        %dma_start3A_269 = tpu.memref_squeeze %dma_start3A_268 : memref<1x1x24576xf32, #tpu.memory_space<hbm>> -> memref<1x24576xf32, #tpu.memory_space<hbm>>
        %dma_start3A_270 = arith.constant 0 : i32
        %dma_start3A_271 = tpu.memref_slice %arg5[%sub3A_157, %dma_start3A_270] : memref<4x24576xf32, #tpu.memory_space<vmem>> -> memref<1x24576xf32, #tpu.memory_space<vmem>>
        tpu.enqueue_dma source(%dma_start3A_271 : memref<1x24576xf32, #tpu.memory_space<vmem>>) target(%dma_start3A_269 : memref<1x24576xf32, #tpu.memory_space<hbm>>) target_semaphore(%arg7 : memref<!tpu.dma_semaphore, #tpu.memory_space<semaphore_mem>>)
      } else {
      }
      %convert_element_type3A_166 = arith.extui %and3A_162 : i1 to i32
      %add3A_167 = arith.addi %add3A_154, %convert_element_type3A_166 : i32
      %slice3A_168 = vector.extract_strided_slice %get3A_55 {offsets = [9], sizes = [1], strides = [1]} : vector<16xi32> to vector<1xi32>
      %squeeze3A_169 = vector.extract %slice3A_168[0] : i32 from vector<1xi32>
      %sub3A_170 = arith.subi %squeeze3A_169, %mul3A_32 : i32
      %ge3A_171 = arith.constant 0 : i32
      %ge3A_172 = arith.cmpi sge, %sub3A_170, %ge3A_171 : i32
      %lt3A_173 = arith.constant 4 : i32
      %lt3A_174 = arith.cmpi slt, %sub3A_170, %lt3A_173 : i32
      %and3A_175 = arith.andi %ge3A_172, %lt3A_174 : i1
      %convert_element_type3A_176 = arith.extui %and3A_175 : i1 to i32
      %cond3A_177 = arith.constant 0 : i32
      %cond3A_178 = arith.cmpi ne, %convert_element_type3A_176, %cond3A_177 : i32
      scf.if %cond3A_178 {
        %mul3A_259 = arith.constant 16 : i32
        %mul3A_260 = arith.muli %scan3A_50, %mul3A_259 : i32
        %add3A_261 = arith.constant 9 : i32
        %add3A_262 = arith.addi %mul3A_260, %add3A_261 : i32
        %dma_start3A = arith.constant 0 : i32
        %dma_start3A_263 = tpu.memref_slice %arg5[%sub3A_170, %dma_start3A] : memref<4x24576xf32, #tpu.memory_space<vmem>> -> memref<1x24576xf32, #tpu.memory_space<vmem>>
        %dma_start3A_264 = arith.constant 0 : i32
        %dma_start3A_265 = tpu.memref_slice %arg4[%add3A_262, %select_n3A_30, %dma_start3A_264] : memref<2048x1x24576xf32, #tpu.memory_space<hbm>> -> memref<1x1x24576xf32, #tpu.memory_space<hbm>>
        %dma_start3A_266 = tpu.memref_squeeze %dma_start3A_265 : memref<1x1x24576xf32, #tpu.memory_space<hbm>> -> memref<1x24576xf32, #tpu.memory_space<hbm>>
        %dma_start3A_267 = arith.constant 0 : i32
        %dma_start3A_268 = tpu.memref_slice %arg4[%add3A_262, %select_n3A_30, %dma_start3A_267] : memref<2048x1x24576xf32, #tpu.memory_space<hbm>> -> memref<1x1x24576xf32, #tpu.memory_space<hbm>>
        %dma_start3A_269 = tpu.memref_squeeze %dma_start3A_268 : memref<1x1x24576xf32, #tpu.memory_space<hbm>> -> memref<1x24576xf32, #tpu.memory_space<hbm>>
        %dma_start3A_270 = arith.constant 0 : i32
        %dma_start3A_271 = tpu.memref_slice %arg5[%sub3A_170, %dma_start3A_270] : memref<4x24576xf32, #tpu.memory_space<vmem>> -> memref<1x24576xf32, #tpu.memory_space<vmem>>
        tpu.enqueue_dma source(%dma_start3A_271 : memref<1x24576xf32, #tpu.memory_space<vmem>>) target(%dma_start3A_269 : memref<1x24576xf32, #tpu.memory_space<hbm>>) target_semaphore(%arg7 : memref<!tpu.dma_semaphore, #tpu.memory_space<semaphore_mem>>)
      } else {
      }
      %convert_element_type3A_179 = arith.extui %and3A_175 : i1 to i32
      %add3A_180 = arith.addi %add3A_167, %convert_element_type3A_179 : i32
      %slice3A_181 = vector.extract_strided_slice %get3A_55 {offsets = [10], sizes = [1], strides = [1]} : vector<16xi32> to vector<1xi32>
      %squeeze3A_182 = vector.extract %slice3A_181[0] : i32 from vector<1xi32>
      %sub3A_183 = arith.subi %squeeze3A_182, %mul3A_32 : i32
      %ge3A_184 = arith.constant 0 : i32
      %ge3A_185 = arith.cmpi sge, %sub3A_183, %ge3A_184 : i32
      %lt3A_186 = arith.constant 4 : i32
      %lt3A_187 = arith.cmpi slt, %sub3A_183, %lt3A_186 : i32
      %and3A_188 = arith.andi %ge3A_185, %lt3A_187 : i1
      %convert_element_type3A_189 = arith.extui %and3A_188 : i1 to i32
      %cond3A_190 = arith.constant 0 : i32
      %cond3A_191 = arith.cmpi ne, %convert_element_type3A_189, %cond3A_190 : i32
      scf.if %cond3A_191 {
        %mul3A_259 = arith.constant 16 : i32
        %mul3A_260 = arith.muli %scan3A_50, %mul3A_259 : i32
        %add3A_261 = arith.constant 10 : i32
        %add3A_262 = arith.addi %mul3A_260, %add3A_261 : i32
        %dma_start3A = arith.constant 0 : i32
        %dma_start3A_263 = tpu.memref_slice %arg5[%sub3A_183, %dma_start3A] : memref<4x24576xf32, #tpu.memory_space<vmem>> -> memref<1x24576xf32, #tpu.memory_space<vmem>>
        %dma_start3A_264 = arith.constant 0 : i32
        %dma_start3A_265 = tpu.memref_slice %arg4[%add3A_262, %select_n3A_30, %dma_start3A_264] : memref<2048x1x24576xf32, #tpu.memory_space<hbm>> -> memref<1x1x24576xf32, #tpu.memory_space<hbm>>
        %dma_start3A_266 = tpu.memref_squeeze %dma_start3A_265 : memref<1x1x24576xf32, #tpu.memory_space<hbm>> -> memref<1x24576xf32, #tpu.memory_space<hbm>>
        %dma_start3A_267 = arith.constant 0 : i32
        %dma_start3A_268 = tpu.memref_slice %arg4[%add3A_262, %select_n3A_30, %dma_start3A_267] : memref<2048x1x24576xf32, #tpu.memory_space<hbm>> -> memref<1x1x24576xf32, #tpu.memory_space<hbm>>
        %dma_start3A_269 = tpu.memref_squeeze %dma_start3A_268 : memref<1x1x24576xf32, #tpu.memory_space<hbm>> -> memref<1x24576xf32, #tpu.memory_space<hbm>>
        %dma_start3A_270 = arith.constant 0 : i32
        %dma_start3A_271 = tpu.memref_slice %arg5[%sub3A_183, %dma_start3A_270] : memref<4x24576xf32, #tpu.memory_space<vmem>> -> memref<1x24576xf32, #tpu.memory_space<vmem>>
        tpu.enqueue_dma source(%dma_start3A_271 : memref<1x24576xf32, #tpu.memory_space<vmem>>) target(%dma_start3A_269 : memref<1x24576xf32, #tpu.memory_space<hbm>>) target_semaphore(%arg7 : memref<!tpu.dma_semaphore, #tpu.memory_space<semaphore_mem>>)
      } else {
      }
      %convert_element_type3A_192 = arith.extui %and3A_188 : i1 to i32
      %add3A_193 = arith.addi %add3A_180, %convert_element_type3A_192 : i32
      %slice3A_194 = vector.extract_strided_slice %get3A_55 {offsets = [11], sizes = [1], strides = [1]} : vector<16xi32> to vector<1xi32>
      %squeeze3A_195 = vector.extract %slice3A_194[0] : i32 from vector<1xi32>
      %sub3A_196 = arith.subi %squeeze3A_195, %mul3A_32 : i32
      %ge3A_197 = arith.constant 0 : i32
      %ge3A_198 = arith.cmpi sge, %sub3A_196, %ge3A_197 : i32
      %lt3A_199 = arith.constant 4 : i32
      %lt3A_200 = arith.cmpi slt, %sub3A_196, %lt3A_199 : i32
      %and3A_201 = arith.andi %ge3A_198, %lt3A_200 : i1
      %convert_element_type3A_202 = arith.extui %and3A_201 : i1 to i32
      %cond3A_203 = arith.constant 0 : i32
      %cond3A_204 = arith.cmpi ne, %convert_element_type3A_202, %cond3A_203 : i32
      scf.if %cond3A_204 {
        %mul3A_259 = arith.constant 16 : i32
        %mul3A_260 = arith.muli %scan3A_50, %mul3A_259 : i32
        %add3A_261 = arith.constant 11 : i32
        %add3A_262 = arith.addi %mul3A_260, %add3A_261 : i32
        %dma_start3A = arith.constant 0 : i32
        %dma_start3A_263 = tpu.memref_slice %arg5[%sub3A_196, %dma_start3A] : memref<4x24576xf32, #tpu.memory_space<vmem>> -> memref<1x24576xf32, #tpu.memory_space<vmem>>
        %dma_start3A_264 = arith.constant 0 : i32
        %dma_start3A_265 = tpu.memref_slice %arg4[%add3A_262, %select_n3A_30, %dma_start3A_264] : memref<2048x1x24576xf32, #tpu.memory_space<hbm>> -> memref<1x1x24576xf32, #tpu.memory_space<hbm>>
        %dma_start3A_266 = tpu.memref_squeeze %dma_start3A_265 : memref<1x1x24576xf32, #tpu.memory_space<hbm>> -> memref<1x24576xf32, #tpu.memory_space<hbm>>
        %dma_start3A_267 = arith.constant 0 : i32
        %dma_start3A_268 = tpu.memref_slice %arg4[%add3A_262, %select_n3A_30, %dma_start3A_267] : memref<2048x1x24576xf32, #tpu.memory_space<hbm>> -> memref<1x1x24576xf32, #tpu.memory_space<hbm>>
        %dma_start3A_269 = tpu.memref_squeeze %dma_start3A_268 : memref<1x1x24576xf32, #tpu.memory_space<hbm>> -> memref<1x24576xf32, #tpu.memory_space<hbm>>
        %dma_start3A_270 = arith.constant 0 : i32
        %dma_start3A_271 = tpu.memref_slice %arg5[%sub3A_196, %dma_start3A_270] : memref<4x24576xf32, #tpu.memory_space<vmem>> -> memref<1x24576xf32, #tpu.memory_space<vmem>>
        tpu.enqueue_dma source(%dma_start3A_271 : memref<1x24576xf32, #tpu.memory_space<vmem>>) target(%dma_start3A_269 : memref<1x24576xf32, #tpu.memory_space<hbm>>) target_semaphore(%arg7 : memref<!tpu.dma_semaphore, #tpu.memory_space<semaphore_mem>>)
      } else {
      }
      %convert_element_type3A_205 = arith.extui %and3A_201 : i1 to i32
      %add3A_206 = arith.addi %add3A_193, %convert_element_type3A_205 : i32
      %slice3A_207 = vector.extract_strided_slice %get3A_55 {offsets = [12], sizes = [1], strides = [1]} : vector<16xi32> to vector<1xi32>
      %squeeze3A_208 = vector.extract %slice3A_207[0] : i32 from vector<1xi32>
      %sub3A_209 = arith.subi %squeeze3A_208, %mul3A_32 : i32
      %ge3A_210 = arith.constant 0 : i32
      %ge3A_211 = arith.cmpi sge, %sub3A_209, %ge3A_210 : i32
      %lt3A_212 = arith.constant 4 : i32
      %lt3A_213 = arith.cmpi slt, %sub3A_209, %lt3A_212 : i32
      %and3A_214 = arith.andi %ge3A_211, %lt3A_213 : i1
      %convert_element_type3A_215 = arith.extui %and3A_214 : i1 to i32
      %cond3A_216 = arith.constant 0 : i32
      %cond3A_217 = arith.cmpi ne, %convert_element_type3A_215, %cond3A_216 : i32
      scf.if %cond3A_217 {
        %mul3A_259 = arith.constant 16 : i32
        %mul3A_260 = arith.muli %scan3A_50, %mul3A_259 : i32
        %add3A_261 = arith.constant 12 : i32
        %add3A_262 = arith.addi %mul3A_260, %add3A_261 : i32
        %dma_start3A = arith.constant 0 : i32
        %dma_start3A_263 = tpu.memref_slice %arg5[%sub3A_209, %dma_start3A] : memref<4x24576xf32, #tpu.memory_space<vmem>> -> memref<1x24576xf32, #tpu.memory_space<vmem>>
        %dma_start3A_264 = arith.constant 0 : i32
        %dma_start3A_265 = tpu.memref_slice %arg4[%add3A_262, %select_n3A_30, %dma_start3A_264] : memref<2048x1x24576xf32, #tpu.memory_space<hbm>> -> memref<1x1x24576xf32, #tpu.memory_space<hbm>>
        %dma_start3A_266 = tpu.memref_squeeze %dma_start3A_265 : memref<1x1x24576xf32, #tpu.memory_space<hbm>> -> memref<1x24576xf32, #tpu.memory_space<hbm>>
        %dma_start3A_267 = arith.constant 0 : i32
        %dma_start3A_268 = tpu.memref_slice %arg4[%add3A_262, %select_n3A_30, %dma_start3A_267] : memref<2048x1x24576xf32, #tpu.memory_space<hbm>> -> memref<1x1x24576xf32, #tpu.memory_space<hbm>>
        %dma_start3A_269 = tpu.memref_squeeze %dma_start3A_268 : memref<1x1x24576xf32, #tpu.memory_space<hbm>> -> memref<1x24576xf32, #tpu.memory_space<hbm>>
        %dma_start3A_270 = arith.constant 0 : i32
        %dma_start3A_271 = tpu.memref_slice %arg5[%sub3A_209, %dma_start3A_270] : memref<4x24576xf32, #tpu.memory_space<vmem>> -> memref<1x24576xf32, #tpu.memory_space<vmem>>
        tpu.enqueue_dma source(%dma_start3A_271 : memref<1x24576xf32, #tpu.memory_space<vmem>>) target(%dma_start3A_269 : memref<1x24576xf32, #tpu.memory_space<hbm>>) target_semaphore(%arg7 : memref<!tpu.dma_semaphore, #tpu.memory_space<semaphore_mem>>)
      } else {
      }
      %convert_element_type3A_218 = arith.extui %and3A_214 : i1 to i32
      %add3A_219 = arith.addi %add3A_206, %convert_element_type3A_218 : i32
      %slice3A_220 = vector.extract_strided_slice %get3A_55 {offsets = [13], sizes = [1], strides = [1]} : vector<16xi32> to vector<1xi32>
      %squeeze3A_221 = vector.extract %slice3A_220[0] : i32 from vector<1xi32>
      %sub3A_222 = arith.subi %squeeze3A_221, %mul3A_32 : i32
      %ge3A_223 = arith.constant 0 : i32
      %ge3A_224 = arith.cmpi sge, %sub3A_222, %ge3A_223 : i32
      %lt3A_225 = arith.constant 4 : i32
      %lt3A_226 = arith.cmpi slt, %sub3A_222, %lt3A_225 : i32
      %and3A_227 = arith.andi %ge3A_224, %lt3A_226 : i1
      %convert_element_type3A_228 = arith.extui %and3A_227 : i1 to i32
      %cond3A_229 = arith.constant 0 : i32
      %cond3A_230 = arith.cmpi ne, %convert_element_type3A_228, %cond3A_229 : i32
      scf.if %cond3A_230 {
        %mul3A_259 = arith.constant 16 : i32
        %mul3A_260 = arith.muli %scan3A_50, %mul3A_259 : i32
        %add3A_261 = arith.constant 13 : i32
        %add3A_262 = arith.addi %mul3A_260, %add3A_261 : i32
        %dma_start3A = arith.constant 0 : i32
        %dma_start3A_263 = tpu.memref_slice %arg5[%sub3A_222, %dma_start3A] : memref<4x24576xf32, #tpu.memory_space<vmem>> -> memref<1x24576xf32, #tpu.memory_space<vmem>>
        %dma_start3A_264 = arith.constant 0 : i32
        %dma_start3A_265 = tpu.memref_slice %arg4[%add3A_262, %select_n3A_30, %dma_start3A_264] : memref<2048x1x24576xf32, #tpu.memory_space<hbm>> -> memref<1x1x24576xf32, #tpu.memory_space<hbm>>
        %dma_start3A_266 = tpu.memref_squeeze %dma_start3A_265 : memref<1x1x24576xf32, #tpu.memory_space<hbm>> -> memref<1x24576xf32, #tpu.memory_space<hbm>>
        %dma_start3A_267 = arith.constant 0 : i32
        %dma_start3A_268 = tpu.memref_slice %arg4[%add3A_262, %select_n3A_30, %dma_start3A_267] : memref<2048x1x24576xf32, #tpu.memory_space<hbm>> -> memref<1x1x24576xf32, #tpu.memory_space<hbm>>
        %dma_start3A_269 = tpu.memref_squeeze %dma_start3A_268 : memref<1x1x24576xf32, #tpu.memory_space<hbm>> -> memref<1x24576xf32, #tpu.memory_space<hbm>>
        %dma_start3A_270 = arith.constant 0 : i32
        %dma_start3A_271 = tpu.memref_slice %arg5[%sub3A_222, %dma_start3A_270] : memref<4x24576xf32, #tpu.memory_space<vmem>> -> memref<1x24576xf32, #tpu.memory_space<vmem>>
        tpu.enqueue_dma source(%dma_start3A_271 : memref<1x24576xf32, #tpu.memory_space<vmem>>) target(%dma_start3A_269 : memref<1x24576xf32, #tpu.memory_space<hbm>>) target_semaphore(%arg7 : memref<!tpu.dma_semaphore, #tpu.memory_space<semaphore_mem>>)
      } else {
      }
      %convert_element_type3A_231 = arith.extui %and3A_227 : i1 to i32
      %add3A_232 = arith.addi %add3A_219, %convert_element_type3A_231 : i32
      %slice3A_233 = vector.extract_strided_slice %get3A_55 {offsets = [14], sizes = [1], strides = [1]} : vector<16xi32> to vector<1xi32>
      %squeeze3A_234 = vector.extract %slice3A_233[0] : i32 from vector<1xi32>
      %sub3A_235 = arith.subi %squeeze3A_234, %mul3A_32 : i32
      %ge3A_236 = arith.constant 0 : i32
      %ge3A_237 = arith.cmpi sge, %sub3A_235, %ge3A_236 : i32
      %lt3A_238 = arith.constant 4 : i32
      %lt3A_239 = arith.cmpi slt, %sub3A_235, %lt3A_238 : i32
      %and3A_240 = arith.andi %ge3A_237, %lt3A_239 : i1
      %convert_element_type3A_241 = arith.extui %and3A_240 : i1 to i32
      %cond3A_242 = arith.constant 0 : i32
      %cond3A_243 = arith.cmpi ne, %convert_element_type3A_241, %cond3A_242 : i32
      scf.if %cond3A_243 {
        %mul3A_259 = arith.constant 16 : i32
        %mul3A_260 = arith.muli %scan3A_50, %mul3A_259 : i32
        %add3A_261 = arith.constant 14 : i32
        %add3A_262 = arith.addi %mul3A_260, %add3A_261 : i32
        %dma_start3A = arith.constant 0 : i32
        %dma_start3A_263 = tpu.memref_slice %arg5[%sub3A_235, %dma_start3A] : memref<4x24576xf32, #tpu.memory_space<vmem>> -> memref<1x24576xf32, #tpu.memory_space<vmem>>
        %dma_start3A_264 = arith.constant 0 : i32
        %dma_start3A_265 = tpu.memref_slice %arg4[%add3A_262, %select_n3A_30, %dma_start3A_264] : memref<2048x1x24576xf32, #tpu.memory_space<hbm>> -> memref<1x1x24576xf32, #tpu.memory_space<hbm>>
        %dma_start3A_266 = tpu.memref_squeeze %dma_start3A_265 : memref<1x1x24576xf32, #tpu.memory_space<hbm>> -> memref<1x24576xf32, #tpu.memory_space<hbm>>
        %dma_start3A_267 = arith.constant 0 : i32
        %dma_start3A_268 = tpu.memref_slice %arg4[%add3A_262, %select_n3A_30, %dma_start3A_267] : memref<2048x1x24576xf32, #tpu.memory_space<hbm>> -> memref<1x1x24576xf32, #tpu.memory_space<hbm>>
        %dma_start3A_269 = tpu.memref_squeeze %dma_start3A_268 : memref<1x1x24576xf32, #tpu.memory_space<hbm>> -> memref<1x24576xf32, #tpu.memory_space<hbm>>
        %dma_start3A_270 = arith.constant 0 : i32
        %dma_start3A_271 = tpu.memref_slice %arg5[%sub3A_235, %dma_start3A_270] : memref<4x24576xf32, #tpu.memory_space<vmem>> -> memref<1x24576xf32, #tpu.memory_space<vmem>>
        tpu.enqueue_dma source(%dma_start3A_271 : memref<1x24576xf32, #tpu.memory_space<vmem>>) target(%dma_start3A_269 : memref<1x24576xf32, #tpu.memory_space<hbm>>) target_semaphore(%arg7 : memref<!tpu.dma_semaphore, #tpu.memory_space<semaphore_mem>>)
      } else {
      }
      %convert_element_type3A_244 = arith.extui %and3A_240 : i1 to i32
      %add3A_245 = arith.addi %add3A_232, %convert_element_type3A_244 : i32
      %slice3A_246 = vector.extract_strided_slice %get3A_55 {offsets = [15], sizes = [1], strides = [1]} : vector<16xi32> to vector<1xi32>
      %squeeze3A_247 = vector.extract %slice3A_246[0] : i32 from vector<1xi32>
      %sub3A_248 = arith.subi %squeeze3A_247, %mul3A_32 : i32
      %ge3A_249 = arith.constant 0 : i32
      %ge3A_250 = arith.cmpi sge, %sub3A_248, %ge3A_249 : i32
      %lt3A_251 = arith.constant 4 : i32
      %lt3A_252 = arith.cmpi slt, %sub3A_248, %lt3A_251 : i32
      %and3A_253 = arith.andi %ge3A_250, %lt3A_252 : i1
      %convert_element_type3A_254 = arith.extui %and3A_253 : i1 to i32
      %cond3A_255 = arith.constant 0 : i32
      %cond3A_256 = arith.cmpi ne, %convert_element_type3A_254, %cond3A_255 : i32
      scf.if %cond3A_256 {
        %mul3A_259 = arith.constant 16 : i32
        %mul3A_260 = arith.muli %scan3A_50, %mul3A_259 : i32
        %add3A_261 = arith.constant 15 : i32
        %add3A_262 = arith.addi %mul3A_260, %add3A_261 : i32
        %dma_start3A = arith.constant 0 : i32
        %dma_start3A_263 = tpu.memref_slice %arg5[%sub3A_248, %dma_start3A] : memref<4x24576xf32, #tpu.memory_space<vmem>> -> memref<1x24576xf32, #tpu.memory_space<vmem>>
        %dma_start3A_264 = arith.constant 0 : i32
        %dma_start3A_265 = tpu.memref_slice %arg4[%add3A_262, %select_n3A_30, %dma_start3A_264] : memref<2048x1x24576xf32, #tpu.memory_space<hbm>> -> memref<1x1x24576xf32, #tpu.memory_space<hbm>>
        %dma_start3A_266 = tpu.memref_squeeze %dma_start3A_265 : memref<1x1x24576xf32, #tpu.memory_space<hbm>> -> memref<1x24576xf32, #tpu.memory_space<hbm>>
        %dma_start3A_267 = arith.constant 0 : i32
        %dma_start3A_268 = tpu.memref_slice %arg4[%add3A_262, %select_n3A_30, %dma_start3A_267] : memref<2048x1x24576xf32, #tpu.memory_space<hbm>> -> memref<1x1x24576xf32, #tpu.memory_space<hbm>>
        %dma_start3A_269 = tpu.memref_squeeze %dma_start3A_268 : memref<1x1x24576xf32, #tpu.memory_space<hbm>> -> memref<1x24576xf32, #tpu.memory_space<hbm>>
        %dma_start3A_270 = arith.constant 0 : i32
        %dma_start3A_271 = tpu.memref_slice %arg5[%sub3A_248, %dma_start3A_270] : memref<4x24576xf32, #tpu.memory_space<vmem>> -> memref<1x24576xf32, #tpu.memory_space<vmem>>
        tpu.enqueue_dma source(%dma_start3A_271 : memref<1x24576xf32, #tpu.memory_space<vmem>>) target(%dma_start3A_269 : memref<1x24576xf32, #tpu.memory_space<hbm>>) target_semaphore(%arg7 : memref<!tpu.dma_semaphore, #tpu.memory_space<semaphore_mem>>)
      } else {
      }
      %convert_element_type3A_257 = arith.extui %and3A_253 : i1 to i32
      %add3A_258 = arith.addi %add3A_245, %convert_element_type3A_257 : i32
      scf.yield %add3A_258 : i32
    }
    %scan3A_40 = arith.constant 128 : i32
    %while3A = arith.constant 0 : i32
    %while3A_41 = arith.constant 0 : i32
    %while3A_42 = arith.subi %scan3A_39, %while3A_41 : i32
    %while3A_43 = arith.addi %while3A_41, %while3A_42 : i32
    %while3A_44 = arith.constant 1 : i32
    %while3A_45 = arith.divsi %while3A_42, %while3A_44 : i32
    %while3A_46 = arith.muli %while3A_45, %while3A_44 : i32
    %while3A_47 = arith.addi %while3A_41, %while3A_46 : i32
    %while3A_48 = arith.constant 1 : i32
    scf.for %while3A_50 = %while3A_41 to %while3A_47 step %while3A_48  : i32 {
      %dma_wait3A = arith.constant 0 : i32
      %dma_wait3A_51 = arith.constant 0 : i32
      %dma_wait3A_52 = tpu.memref_slice %arg5[%dma_wait3A, %dma_wait3A_51] : memref<4x24576xf32, #tpu.memory_space<vmem>> -> memref<1x24576xf32, #tpu.memory_space<vmem>>
      %dma_wait3A_53 = arith.constant 0 : i32
      %dma_wait3A_54 = arith.constant 0 : i32
      %dma_wait3A_55 = tpu.memref_slice %arg4[%dma_wait3A_53, %select_n3A_30, %dma_wait3A_54] : memref<2048x1x24576xf32, #tpu.memory_space<hbm>> -> memref<1x1x24576xf32, #tpu.memory_space<hbm>>
      %dma_wait3A_56 = tpu.memref_squeeze %dma_wait3A_55 : memref<1x1x24576xf32, #tpu.memory_space<hbm>> -> memref<1x24576xf32, #tpu.memory_space<hbm>>
      %dma_wait3A_57 = arith.constant 0 : i32
      %dma_wait3A_58 = arith.constant 0 : i32
      %dma_wait3A_59 = tpu.memref_slice %arg4[%dma_wait3A_57, %select_n3A_30, %dma_wait3A_58] : memref<2048x1x24576xf32, #tpu.memory_space<hbm>> -> memref<1x1x24576xf32, #tpu.memory_space<hbm>>
      %dma_wait3A_60 = tpu.memref_squeeze %dma_wait3A_59 : memref<1x1x24576xf32, #tpu.memory_space<hbm>> -> memref<1x24576xf32, #tpu.memory_space<hbm>>
      %dma_wait3A_61 = arith.constant 0 : i32
      %dma_wait3A_62 = arith.constant 0 : i32
      %dma_wait3A_63 = tpu.memref_slice %arg5[%dma_wait3A_61, %dma_wait3A_62] : memref<4x24576xf32, #tpu.memory_space<vmem>> -> memref<1x24576xf32, #tpu.memory_space<vmem>>
      tpu.wait_dma2 semaphore(%arg7 : memref<!tpu.dma_semaphore, #tpu.memory_space<semaphore_mem>>) src(%dma_wait3A_63 : memref<1x24576xf32, #tpu.memory_space<vmem>>) dst(%dma_wait3A_60 : memref<1x24576xf32, #tpu.memory_space<hbm>>)
    }
    %while3A_49 = arith.constant 1 : i32
    scf.for %while3A_50 = %while3A_47 to %while3A_43 step %while3A_49  : i32 {
      %dma_wait3A = arith.constant 0 : i32
      %dma_wait3A_51 = arith.constant 0 : i32
      %dma_wait3A_52 = tpu.memref_slice %arg5[%dma_wait3A, %dma_wait3A_51] : memref<4x24576xf32, #tpu.memory_space<vmem>> -> memref<1x24576xf32, #tpu.memory_space<vmem>>
      %dma_wait3A_53 = arith.constant 0 : i32
      %dma_wait3A_54 = arith.constant 0 : i32
      %dma_wait3A_55 = tpu.memref_slice %arg4[%dma_wait3A_53, %select_n3A_30, %dma_wait3A_54] : memref<2048x1x24576xf32, #tpu.memory_space<hbm>> -> memref<1x1x24576xf32, #tpu.memory_space<hbm>>
      %dma_wait3A_56 = tpu.memref_squeeze %dma_wait3A_55 : memref<1x1x24576xf32, #tpu.memory_space<hbm>> -> memref<1x24576xf32, #tpu.memory_space<hbm>>
      %dma_wait3A_57 = arith.constant 0 : i32
      %dma_wait3A_58 = arith.constant 0 : i32
      %dma_wait3A_59 = tpu.memref_slice %arg4[%dma_wait3A_57, %select_n3A_30, %dma_wait3A_58] : memref<2048x1x24576xf32, #tpu.memory_space<hbm>> -> memref<1x1x24576xf32, #tpu.memory_space<hbm>>
      %dma_wait3A_60 = tpu.memref_squeeze %dma_wait3A_59 : memref<1x1x24576xf32, #tpu.memory_space<hbm>> -> memref<1x24576xf32, #tpu.memory_space<hbm>>
      %dma_wait3A_61 = arith.constant 0 : i32
      %dma_wait3A_62 = arith.constant 0 : i32
      %dma_wait3A_63 = tpu.memref_slice %arg5[%dma_wait3A_61, %dma_wait3A_62] : memref<4x24576xf32, #tpu.memory_space<vmem>> -> memref<1x24576xf32, #tpu.memory_space<vmem>>
      tpu.wait_dma2 semaphore(%arg7 : memref<!tpu.dma_semaphore, #tpu.memory_space<semaphore_mem>>) src(%dma_wait3A_63 : memref<1x24576xf32, #tpu.memory_space<vmem>>) dst(%dma_wait3A_60 : memref<1x24576xf32, #tpu.memory_space<hbm>>)
    }
    return
  }
}

</mosaic_0001>

<sc_bundles>
// kernel: kernel.3.cloned.1.call-start
scs
__scs_entry_jumppad:
0x0: {  	(pc) =	sbr.rel $0x88, $3  }
0x1: {  	(tag) =	ssettag $0x0;
	lr =	simm.s32 $0x1  }
0x2: {  	[smem:$0x3F9F] =	sst lr;
	_ =	strace $0xD0000000  }
0x3: {  	_ = 	snop  }
0x4: {  	_ = 	snop  }
0x5: {  	_ = 	snop  }
0x6: {  	_ = 	snop  }
0x7: {  	_ = 	snop  }
__scs_overlays_trampoline_lowered:
0x8: {  	[smem:$0x3FAE] =	sst s0  }
0x9: {  	[smem:$0x3FAF] =	sst s1  }
0xa: {  	[smem:$0x3FB0] =	sst s2  }
0xb: {  	[smem:$0x3FB1] =	sst s3  }
0xc: {  	[smem:$0x3FB2] =	sst s4  }
0xd: {  	[smem:$0x3FB3] =	sst s5  }
0xe: {  	[smem:$0x3FB4] =	sst s6  }
0xf: {  	[smem:$0x3FB5] =	sst s7  }
0x10: {  	[smem:$0x3FB6] =	sst s8  }
0x11: {  	[smem:$0x3FB7] =	sst s9;
	s0 =	simm.s32 @!p0 $0x0  }
0x12: {  	s1 =	sld [smem:$0x3F9D];
	s0 =	simm.s32 @p0 $0x1  }
0x13: {  	[smem:$0x3FB8] =	sst s0;
	s0 =	simm.s32 @!p1 $0x0  }
0x14: {  	s2 =	sld [smem:$0x3F9C];
	s0 =	simm.s32 @p1 $0x1  }
0x15: {  	[smem:$0x3FB9] =	sst s0;
	s0 =	simm.s32 @!p2 $0x0  }
0x16: {  	s3 =	sld [smem:$0x3FDB];
	s0 =	simm.s32 @p2 $0x1  }
0x17: {  	s4 =	simm.s32 $0x1BF5;
	[smem:$0x3FBB] =	sst s0  }
0x18: {  	s0 =	sld [smem:$0x3F9E];
	_ =	swait.ge [sflag:s4], $0x0  }
0x19: {  	s7 =	sld [smem:$0x3F9F]  }
0x1a: {  	s8 =	sadd.s32 $0xFFFFE003, lr  }
0x1b: {  	s9 =	sadd.s32 $0xFFFFFEF7, lr;
	s5 =	simm.s32 $0xFFFFFFFF;
	p2 =	slt.u32 s8, $0xFFFFF086  }
0x1c: {  	p1 =	slt.u32 s9, $0xF7A;
	s5 =	simm.s32 @!p2 $0x0  }
0x1d: {  	s5 =	simm.s32 @p1 $0x1;
	p0 =	seq.s32 s7, s2  }
0x1e: {  	s7 =	smul.u32 @!p0 $0xF7A, s2;
	p2 =	seq.s32 @!p0 s5, $0x0  }
0x1f: {  	s9 =	smul.u32 $0xF7A, s1;
	s8 =	simm.s32 @!p0 $0x1BF5;
	p2 =	por !p2, p0  }
0x20: {  	[sflag:s8] =	ssyncset.s32 @!p0 $0xFFFFF086;
	s6 =	sadd.s32 @!p0 s3, s7;
	s7 =	simm.s32 @!p0 $0x108  }
0x21: {  	s3 =	sadd.s32 s3, s9;
	s6 =	sadd.s32 @!p0 $0x88, s6;
	s7 =	simm.s32 @p2 $0x1082  }
0x22: {  	[simem:s7], [sflag:s8] =	dma.local @!p0 [hbm:s6], $0xF7A  }
0x23: {  	s9 =	sor.u32 $0xD0000000, s2;
	s6 =	simm.s32 $0x108;
	_ =	swait.ge @!p0 [sflag:s8], $0x0  }
0x24: {  	s3 =	sadd.s32 $0x88, s3;
	s6 =	simm.s32 @!p1 $0x1082;
	[sflag:s4] =	ssyncset.s32 $0xFFFFF086  }
0x25: {  	[simem:s6], [sflag:s4] =	dma.local [hbm:s3], $0xF7A  }
0x26: {  	[smem:$0x3F9F] =	sst s1;
	(tag) =	ssettag s2;
	_ =	strace s9  }
0x27: {  	s1 =	sld [smem:$0x3FAF]  }
0x28: {  	s2 =	sld [smem:$0x3FB0]  }
0x29: {  	s4 =	sld [smem:$0x3FB2]  }
0x2a: {  	p0 =	seq.s32 s5, $0x0;
	s5 =	sld [smem:$0x3FB3]  }
0x2b: {  	s6 =	sld [smem:$0x3FB4]  }
0x2c: {  	s7 =	sld [smem:$0x3FB5]  }
0x2d: {  	s3 =	simm.s32 $0x108;
	s8 =	sld [smem:$0x3FB6]  }
0x2e: {  	s3 =	simm.s32 @!p0 $0x1082;
	s9 =	sld [smem:$0x3FB7]  }
0x2f: {  	lr =	sadd.s32 s0, s3;
	s0 =	sld [smem:$0x3FAE]  }
0x30: {  	s3 =	sld [smem:$0x3FB1]  }
0x31: {  	[smem:$0x3FBA] =	sst s10  }
0x32: {  	s10 =	sld [smem:$0x3FB8];
	_ =	sdelay $0x3  }
0x33: {  	p0 =	seq.s32 s10, $0x1;
	s10 =	sld [smem:$0x3FBA];
	_ =	sdelay $0x3  }
0x34: {  	[smem:$0x3FBA] =	sst s10  }
0x35: {  	s10 =	sld [smem:$0x3FB9];
	_ =	sdelay $0x3  }
0x36: {  	p1 =	seq.s32 s10, $0x1;
	s10 =	sld [smem:$0x3FBA];
	_ =	sdelay $0x3  }
0x37: {  	[smem:$0x3FBA] =	sst s10  }
0x38: {  	s10 =	sld [smem:$0x3FBB]  }
0x39: {  	_ = 	snop;
	(pc) =	sbr.ind lr, $3  }
0x3a: {  	_ = 	snop  }
0x3b: {  	_ = 	snop  }
0x3c: {  	p2 =	seq.s32 s10, $0x1;
	s10 =	sld [smem:$0x3FBA]  }
0x3d: {  	_ =	shalt  }
0x3e: {  	_ =	shalt  }
0x3f: {  	_ =	shalt  }
0x40: {  	_ =	shalt  }
0x41: {  	_ =	shalt  }
0x42: {  	_ =	shalt  }
0x43: {  	_ =	shalt  }
0x44: {  	_ =	shalt  }
0x45: {  	_ =	shalt  }
0x46: {  	_ =	shalt  }
0x47: {  	_ =	shalt  }
0x48: {  	_ =	shalt  }
0x49: {  	_ =	shalt  }
0x4a: {  	_ =	shalt  }
0x4b: {  	_ =	shalt  }
0x4c: {  	_ =	shalt  }
0x4d: {  	_ =	shalt  }
0x4e: {  	_ =	shalt  }
0x4f: {  	_ =	shalt  }
0x50: {  	_ =	shalt  }
0x51: {  	_ =	shalt  }
0x52: {  	_ =	shalt  }
0x53: {  	_ =	shalt  }
0x54: {  	_ =	shalt  }
0x55: {  	_ =	shalt  }
0x56: {  	_ =	shalt  }
0x57: {  	_ =	shalt  }
0x58: {  	_ =	shalt  }
0x59: {  	_ =	shalt  }
0x5a: {  	_ =	shalt  }
0x5b: {  	_ =	shalt  }
0x5c: {  	_ =	shalt  }
0x5d: {  	_ =	shalt  }
0x5e: {  	_ =	shalt  }
0x5f: {  	_ =	shalt  }
0x60: {  	_ =	shalt  }
0x61: {  	_ =	shalt  }
0x62: {  	_ =	shalt  }
0x63: {  	_ =	shalt  }
0x64: {  	_ =	shalt  }
0x65: {  	_ =	shalt  }
0x66: {  	_ =	shalt  }
0x67: {  	_ =	shalt  }
0x68: {  	_ =	shalt  }
0x69: {  	_ =	shalt  }
0x6a: {  	_ =	shalt  }
0x6b: {  	_ =	shalt  }
0x6c: {  	_ =	shalt  }
0x6d: {  	_ =	shalt  }
0x6e: {  	_ =	shalt  }
0x6f: {  	_ =	shalt  }
0x70: {  	_ =	shalt  }
0x71: {  	_ =	shalt  }
0x72: {  	_ =	shalt  }
0x73: {  	_ =	shalt  }
0x74: {  	_ =	shalt  }
0x75: {  	_ =	shalt  }
0x76: {  	_ =	shalt  }
0x77: {  	_ =	shalt  }
0x78: {  	_ =	shalt  }
0x79: {  	_ =	shalt  }
0x7a: {  	_ =	shalt  }
0x7b: {  	_ =	shalt  }
0x7c: {  	_ =	shalt  }
0x7d: {  	_ =	shalt  }
0x7e: {  	_ =	shalt  }
0x7f: {  	_ =	shalt  }
0x80: {  	_ =	shalt  }
0x81: {  	_ =	shalt  }
0x82: {  	_ =	shalt  }
0x83: {  	_ =	shalt  }
0x84: {  	_ =	shalt  }
0x85: {  	_ =	shalt  }
0x86: {  	_ =	shalt  }
0x87: {  	_ =	shalt  }
.Lfunc_end0:
.L_simem_size_0:
called_computation_lowered:
.L_overlay_start_0:
0x88: {  	s2 =	sld [smem:$0x3FD9]  }
0x89: {  	s3 =	sld [smem:$0x3FFE];
	_ =	sdelay $0x1  }
0x8a: {  	s1 =	srdreg.scid  }
0x8b: {  	s0 =	sand.u32 $0x1, s1  }
0x8c: {  	s17 =	sshll.u32 s0, $0xA;
	s2 =	sadd.s32 s3, s2  }
0x8d: {  	s2 =	sadd.s32 s2, s17  }
0x8e: {  	[smem:$0x3FC6] =	sst s2  }
0x8f: {  	_ = 	snop  }
0x90: {  	s2 =	sld [smem:$0x3FC9]  }
0x91: {  	s18 =	sld [smem:$0x3FC8];
	(tm) =	ssettm $0x1  }
0x92: {  	s4 =	sld [smem:$0x3FFB];
	_ =	sdelay $0x3  }
0x93: {  	_ =	strace s4  }
0x94: {  	s4 =	sld [smem:$0x3FFC];
	_ =	sdelay $0x3  }
0x95: {  	_ =	strace s4  }
0x96: {  	s4 =	sld [smem:$0x3FFD];
	_ =	sdelay $0x3  }
0x97: {  	_ =	strace s4  }
0x98: {  	_ =	strace $0x8FFFFFFF  }
0x99: {  	s19 =	sld [smem:$0x3FDB];
	_ =	sdelay $0x1  }
0x9a: {  	s5 =	simm.s32 $_scs_section_size  }
0x9b: {  	s6 =	simm.s32 $_size__tile_overlayer_lowered;
	s7 =	simm.s32 $_tile_overlayer_lowered  }
0x9c: {  	s22 =	simm.s32 $0x1BFF;
	s21 =	sshll.u32 s7, $0x1;
	s4 =	sadd.s32 s5, s19  }
0x9d: {  	s8 =	simm.s32 $0x0;
	s20 =	sshll.u32 s6, $0x1;
	s6 =	sadd.s32 s21, s4  }
0x9e: {  	[timem:s8], [sflag:s22] =	dma.local [hbm:s6], s20  }
0x9f: {  	_ =	swait.ge [sflag:s22], s20  }
0xa0: {  	s5 =	ssub.s32 $0x0, s20;
	[sflag:s22] =	ssyncset.done $0x0  }
0xa1: {  	[sflag:s22] =	ssyncadd.s32 s5;
	_ =	sdelay $0x1  }
0xa2: {  	s23 =	simm.s32 $0x1B8B  }
0xa3: {  	_ =	swait.ge [sflag:s23], $0x1  }
0xa4: {  	[sflag:s23] =	ssyncset.done $0x0  }
0xa5: {  	s25 =	simm.s32 $0x1B8E;
	s24 =	sld [smem:$0x3FFE];
	[sflag:s23] =	ssyncadd.s32 $0xFFFFFFFF  }
0xa6: {  	s26 =	simm.s32 $execute0_lowered;
	[smem:$0x3FD2] =	sst s25  }
0xa7: {  	s6 =	sshll.u32 s26, $0x1;
	_ =	strace $0x80000046;
	[dreg:$0x1] =	wrdreg $0xFFFFFFFF  }
0xa8: {  	s28 =	simm.s32 $_size_execute0_lowered;
	s4 =	sadd.s32 s4, s6;
	[dreg:$0x0] =	wrdreg $0x0  }
0xa9: {  	s6 =	sshll.u32 s28, $0x1;
	[dreg:$0x2] =	wrdreg s4  }
0xaa: {  	[dreg:$0x3] =	wrdreg s6  }
0xab: {  	[dreg:$0x4] =	wrdreg $0xC0  }
0xac: {  	_ =	task [dreg:s8], $0x5FFFF  }
0xad: {  	[dreg:$0x1] =	wrdreg $0xFFFFFFFF  }
0xae: {  	[dreg:$0x0] =	wrdreg $0x60  }
0xaf: {  	[dreg:$0x2] =	wrdreg s2  }
0xb0: {  	[dreg:$0x3] =	wrdreg s18  }
0xb1: {  	[dreg:$0x4] =	wrdreg s24  }
0xb2: {  	[dreg:$0x5] =	wrdreg $0x9  }
0xb3: {  	_ =	task.clear_ibuf [dreg:s8], $0x6FFFF;
	_ =	strace $0x90000046  }
0xb4: {  	s29 =	simm.s32 $0x9;
	_ =	strace $0x80000048  }
0xb5: {  	_ =	swait.ge [sflag:s29], $0x1  }
0xb6: {  	[sflag:s29] =	ssyncadd.s32 $0xFFFFFFFF  }
0xb7: {  	_ =	strace $0x90000048  }
0xb8: {  	_ =	sfence  }
0xb9: {  	s30 =	sld [smem:$0x0];
	_ =	sdelay $0x2  }
0xba: {  	s31 =	sshll.u32 s1, $0xD;
	s1 =	sshrl.u32 s1, $0x2  }
0xbb: {  	s3 =	sand.u32 $0x4000, s31;
	s1 =	sadd.s32 s1, s30  }
0xbc: {  	s0 =	sor.u32 s3, s0;
	s1 =	sshll.u32 s1, $0x11  }
0xbd: {  	s0 =	sor.u32 s1, s0  }
0xbe: {  	s0 =	sadd.s32 $0x8F2B, s0  }
0xbf: {  	[sflag:s0] =	ssyncadd.remote.s32 $0x1  }
0xc0: {  	_ =	sfence.sel $0xFFFF  }
0xc1: {  	[dreg:$0x0] =	wrdreg $0xFFFFFFFF;
	(pc) =	sbr.abs _section_cstart, $3  }
0xc2: {  	[dreg:$0x1] =	wrdreg $0xFFFFFFFF  }
0xc3: {  	_ =	task.clear_ibuf [dreg:s8], $0x2FFFF;
	_ =	strace $0x9FFFFFFF  }
0xc4: {  	(tm) =	ssettm $0x7FFFFFFF  }
0xc5: {  	_ =	shalt  }
tec
execute0_lowered:
.L_overlay_start_1:
0x0: {  	(tag) =	ssettag $0x1  }
0x1: {  	s0 =	rddreg [dreg:$0x1]  }
0x2: {  	s1 =	rddreg [dreg:$0x2]  }
0x3: {  	s3 =	simm.s32 $0x0;
	s2 =	srdreg.scid;
	s9 =	stileid.u32  }
0x4: {  	s17 =	simm.s32 $0x1;
	[smem:$0x7FF] =	sst s3;
	s2 =	sand.u32 $0x1, s2  }
0x5: {  	s5 =	smul.u32 $0x30000, s9;
	s4 =	sadd.s32 $0x400, s1;
	s28 =	sshll.u32 s9, $0x3  }
0x6: {  	s30 =	sadd.s32 $0x1000, s1;
	s9 =	sadd.s32 $0x2800, s1;
	s10 =	sadd.s32 $0x3400, s1  }
0x7: {  	s11 =	sadd.s32 $0x4000, s1;
	_ =	strace $0x80000047;
	s7 =	sshll.u32 s2, $0x9  }
.Ltmp0:
0x8: {  	s6 =	ssub.s32 $0x2, s2;
	s5 =	sor.u32 s7, s5;
	(pc) =	sbr.rel .LBB2_1-.Ltmp0, $4  }
0x9: {  	s2 =	sshll.u32 s2, $0x2;
	s8 =	sshrl.u32 s6, $0x1;
	s29 =	sshrl.u32 s5, $0x3  }
0xa: {  	[dreg:$0x5] =	wrdreg s30;
	s6 =	ssub.s32 s6, s8;
	s0 =	sadd.s32 s0, s29  }
0xb: {  	s5 =	sor.u32 s2, s28;
	s31 =	smax.u32 s6, $0x1;
	[dreg:$0x4] =	wrdreg s0  }
0xc: {  	s8 =	sadd.s32 $0x1C00, s1;
	s1 =	simm.s32 $0x0;
	[dreg:$0x6] =	wrdreg s31  }
.LBB2_70:
0xd: {  	[sflag:s17] =	ssyncadd.s32 $0xFFFFA000  }
.LBB2_71:
0xe: {  	s1 =	sadd.s32 $0x1, s1;
	s0 =	rddreg [dreg:$0x6]  }
0xf: {  	p0 =	sne.s32 s1, s0  }
.Ltmp1:
0x10: {  	_ = 	snop;
	(pc) =	sbr.rel @!p0 .LBB2_72-.Ltmp1, $1  }
0x11: {  	_ =	sdelay $0x3  }
.LBB2_1:
0x12: {  	[dreg:$0x7] =	wrdreg s1  }
0x13: {  	s0 =	rddreg [dreg:$0x4]  }
0x14: {  	s28 =	simm.s32 $0x200;
	s2 =	simm.s32 $0x400;
	s29 =	simm.s32 $0x2  }
0x15: {  	[tilespmem:s3], [sflag:$0x2] =	stream.strided.gather [hbm4b:s0+s28], $0x18000, s2, s28, $0x38;
	[tilespmem:$0x18800] =	vst v63  }
0x16: {  	_ =	swait.ge [sflag:s29], $0x18000  }
0x17: {  	[sflag:s29] =	ssyncset.done $0x0  }
0x18: {  	[sflag:s29] =	ssyncadd.s32 $0xFFFE8000  }
.Ltmp2:
0x19: {  	s31 =	simm.s32 $0x18000;
	s30 =	rddreg [dreg:$0x0];
	(pc) =	sbr.rel .LBB2_2-.Ltmp2, $4  }
0x1a: {  	[tilespmem:s31], [sflag:$0x2] =	stream.linear.gather [hbm4b:s30+s3], $0x800, $0x38;
	[tilespmem:$0x18800] =	vst v63  }
0x1b: {  	_ =	swait.ge [sflag:s29], $0x800  }
0x1c: {  	[sflag:s29] =	ssyncset.done $0x0  }
0x1d: {  	s20 =	simm.s32 $0x0;
	s19 =	simm.s32 $0x0;
	[sflag:s29] =	ssyncadd.s32 $0xFFFFF800  }
.LBB2_66:
0x1e: {  	p0 =	slt.u32 s21, $0x4;
	s7 =	simm.s32 $0x1  }
0x1f: {  	s12 =	simm.s32 $0x1;
	s7 =	simm.s32 @!p0 $0x0;
	p0 =	slt.u32 s22, $0x4  }
0x20: {  	s7 =	sadd.s32 s7, s20;
	s12 =	simm.s32 @!p0 $0x0  }
0x21: {  	s15 =	simm.s32 $0x1;
	p0 =	slt.u32 s23, $0x4;
	s7 =	sadd.s32 s12, s7  }
0x22: {  	s15 =	simm.s32 @!p0 $0x0;
	p0 =	slt.u32 s24, $0x4;
	s12 =	simm.s32 $0x1  }
0x23: {  	s7 =	sadd.s32 s15, s7;
	s12 =	simm.s32 @!p0 $0x0  }
0x24: {  	p0 =	slt.u32 s25, $0x4;
	s15 =	simm.s32 $0x1;
	s7 =	sadd.s32 s12, s7  }
0x25: {  	s15 =	simm.s32 @!p0 $0x0;
	p0 =	slt.u32 s26, $0x4;
	s12 =	simm.s32 $0x1  }
0x26: {  	s7 =	sadd.s32 s15, s7;
	s12 =	simm.s32 @!p0 $0x0  }
0x27: {  	p0 =	slt.u32 s28, $0x4;
	s15 =	simm.s32 $0x1;
	s7 =	sadd.s32 s12, s7  }
0x28: {  	s15 =	simm.s32 @!p0 $0x0;
	p0 =	slt.u32 s29, $0x4;
	s12 =	simm.s32 $0x1  }
0x29: {  	s7 =	sadd.s32 s15, s7;
	s12 =	simm.s32 @!p0 $0x0  }
0x2a: {  	p0 =	slt.u32 s31, $0x4;
	s15 =	simm.s32 $0x1;
	s7 =	sadd.s32 s12, s7  }
0x2b: {  	s15 =	simm.s32 @!p0 $0x0;
	p0 =	slt.u32 s0, $0x4;
	s0 =	simm.s32 $0x1  }
0x2c: {  	s7 =	sadd.s32 s15, s7;
	s0 =	simm.s32 @!p0 $0x0  }
0x2d: {  	p0 =	slt.u32 s2, $0x4;
	s2 =	simm.s32 $0x1;
	s0 =	sadd.s32 s0, s7  }
0x2e: {  	s2 =	simm.s32 @!p0 $0x0;
	p0 =	slt.u32 s1, $0x4;
	s1 =	simm.s32 $0x1  }
0x2f: {  	s0 =	sadd.s32 s2, s0;
	s1 =	simm.s32 @!p0 $0x0  }
0x30: {  	p0 =	slt.u32 s13, $0x4;
	s2 =	simm.s32 $0x1;
	s0 =	sadd.s32 s1, s0  }
0x31: {  	s2 =	simm.s32 @!p0 $0x0;
	p0 =	slt.u32 s14, $0x4;
	s1 =	simm.s32 $0x1  }
0x32: {  	s19 =	sadd.s32 $0x1, s19;
	s0 =	sadd.s32 s2, s0;
	s1 =	simm.s32 @!p0 $0x0  }
0x33: {  	p0 =	slt.u32 s16, $0x4;
	s2 =	simm.s32 $0x1;
	s0 =	sadd.s32 s1, s0  }
0x34: {  	s2 =	simm.s32 @!p0 $0x0;
	p0 =	slt.u32 s6, $0x4;
	s1 =	simm.s32 $0x1  }
0x35: {  	s1 =	simm.s32 @!p0 $0x0;
	p0 =	seq.s32 s19, $0x80  }
.Ltmp3:
0x36: {  	_ = 	snop;
	(pc) =	sbr.rel @p0 .LBB2_67-.Ltmp3, $3  }
0x37: {  	_ =	sdelay $0x1  }
0x38: {  	s0 =	sadd.s32 s2, s0  }
0x39: {  	s20 =	sadd.s32 s1, s0  }
.LBB2_2:
0x3a: {  	s0 =	sshll.u32 s19, $0x4  }
0x3b: {  	s0 =	sand.u32 $0x3FFFFFF0, s0  }
0x3c: {  	v0 =	vld [tilespmem:s0+$0x18000];
	_ =	sdelay $0x4  }
0x3d: {  	(v2sf) =	vpush v0, $0x0;
	_ =	sdelay $0xe  }
0x3e: {  	s31 =	spop (v2sf)  }
0x3f: {  	s21 =	ssub.s32 s31, s5  }
0x40: {  	p0 =	sgt.u32 s21, $0x3  }
.Ltmp4:
0x41: {  	_ = 	snop;
	(pc) =	sbr.rel @p0 .LBB2_6-.Ltmp4, $2  }
0x42: {  	_ =	sdelay $0x2  }
0x43: {  	s0 =	smul.u32 $0xC000, s19  }
0x44: {  	s2 =	sshll.u32 s21, $0x9  }
0x45: {  	s1 =	sadd.s32 s4, s0;
	s2 =	sshra.s32 s2, $0x2  }
0x46: {  	s6 =	simm.s32 $0x10;
	s13 =	sadd.s32 $0x0, s1;
	s12 =	sadd.s32 $0x200, s2  }
.LBB2_4:
0x47: {  	[hbm4b:s13+s3] =	stream.linear.scatter [tilespmem:s2], [sflag:$0x1], $0x80, $0x38;
	[tilespmem:$0x18800] =	vst v63  }
0x48: {  	s7 =	smov.u32 s6;
	s2 =	smov.u32 s12;
	p0 =	sne.s32 s6, $0xBF0  }
.Ltmp5:
0x49: {  	s6 =	sadd.s32 $0x10, s6;
	(pc) =	sbr.rel @p0 .LBB2_4-.Ltmp5, $2  }
0x4a: {  	_ =	sdelay $0x2  }
0x4b: {  	s12 =	sadd.s32 $0x200, s12;
	s13 =	sadd.s32 s7, s1  }
0x4c: {  	[hbm4b:s13+s3] =	stream.linear.scatter [tilespmem:s2], [sflag:$0x1], $0x80, $0x38;
	[tilespmem:$0x18800] =	vst v63  }
.LBB2_6:
0x4d: {  	(v2sf) =	vpush v0, $0x1;
	_ =	sdelay $0xe  }
0x4e: {  	s1 =	spop (v2sf)  }
0x4f: {  	s22 =	ssub.s32 s1, s5  }
0x50: {  	p0 =	sgt.u32 s22, $0x3  }
.Ltmp6:
0x51: {  	_ = 	snop;
	(pc) =	sbr.rel @p0 .LBB2_10-.Ltmp6, $1  }
0x52: {  	_ =	sdelay $0x3  }
0x53: {  	s2 =	sshll.u32 s22, $0x9;
	s1 =	rddreg [dreg:$0x5]  }
0x54: {  	s1 =	sadd.s32 s0, s1;
	s2 =	sshra.s32 s2, $0x2  }
0x55: {  	s6 =	simm.s32 $0x10;
	s13 =	sadd.s32 $0x0, s1;
	s12 =	sadd.s32 $0x200, s2  }
.LBB2_8:
0x56: {  	[hbm4b:s13+s3] =	stream.linear.scatter [tilespmem:s2], [sflag:$0x1], $0x80, $0x38;
	[tilespmem:$0x18800] =	vst v63  }
0x57: {  	s7 =	smov.u32 s6;
	s2 =	smov.u32 s12;
	p0 =	sne.s32 s6, $0xBF0  }
.Ltmp7:
0x58: {  	s6 =	sadd.s32 $0x10, s6;
	(pc) =	sbr.rel @p0 .LBB2_8-.Ltmp7, $2  }
0x59: {  	_ =	sdelay $0x2  }
0x5a: {  	s12 =	sadd.s32 $0x200, s12;
	s13 =	sadd.s32 s7, s1  }
0x5b: {  	[hbm4b:s13+s3] =	stream.linear.scatter [tilespmem:s2], [sflag:$0x1], $0x80, $0x38;
	[tilespmem:$0x18800] =	vst v63  }
.LBB2_10:
0x5c: {  	(v2sf) =	vpush v0, $0x2;
	_ =	sdelay $0xe  }
0x5d: {  	s1 =	spop (v2sf)  }
0x5e: {  	s23 =	ssub.s32 s1, s5  }
0x5f: {  	p0 =	sgt.u32 s23, $0x3  }
.Ltmp8:
0x60: {  	_ = 	snop;
	(pc) =	sbr.rel @p0 .LBB2_14-.Ltmp8, $1  }
0x61: {  	_ =	sdelay $0x3  }
0x62: {  	s2 =	sshll.u32 s23, $0x9  }
0x63: {  	s1 =	sadd.s32 s0, s8;
	s2 =	sshra.s32 s2, $0x2  }
0x64: {  	s6 =	simm.s32 $0x10;
	s13 =	sadd.s32 $0x0, s1;
	s12 =	sadd.s32 $0x200, s2  }
.LBB2_12:
0x65: {  	[hbm4b:s13+s3] =	stream.linear.scatter [tilespmem:s2], [sflag:$0x1], $0x80, $0x38;
	[tilespmem:$0x18800] =	vst v63  }
0x66: {  	s7 =	smov.u32 s6;
	s2 =	smov.u32 s12;
	p0 =	sne.s32 s6, $0xBF0  }
.Ltmp9:
0x67: {  	s6 =	sadd.s32 $0x10, s6;
	(pc) =	sbr.rel @p0 .LBB2_12-.Ltmp9, $2  }
0x68: {  	_ =	sdelay $0x2  }
0x69: {  	s12 =	sadd.s32 $0x200, s12;
	s13 =	sadd.s32 s7, s1  }
0x6a: {  	[hbm4b:s13+s3] =	stream.linear.scatter [tilespmem:s2], [sflag:$0x1], $0x80, $0x38;
	[tilespmem:$0x18800] =	vst v63  }
.LBB2_14:
0x6b: {  	(v2sf) =	vpush v0, $0x3;
	_ =	sdelay $0xe  }
0x6c: {  	s1 =	spop (v2sf)  }
0x6d: {  	s24 =	ssub.s32 s1, s5  }
0x6e: {  	p0 =	sgt.u32 s24, $0x3  }
.Ltmp10:
0x6f: {  	_ = 	snop;
	(pc) =	sbr.rel @p0 .LBB2_18-.Ltmp10, $1  }
0x70: {  	_ =	sdelay $0x3  }
0x71: {  	s2 =	sshll.u32 s24, $0x9  }
0x72: {  	s1 =	sadd.s32 s0, s9;
	s2 =	sshra.s32 s2, $0x2  }
0x73: {  	s6 =	simm.s32 $0x10;
	s13 =	sadd.s32 $0x0, s1;
	s12 =	sadd.s32 $0x200, s2  }
.LBB2_16:
0x74: {  	[hbm4b:s13+s3] =	stream.linear.scatter [tilespmem:s2], [sflag:$0x1], $0x80, $0x38;
	[tilespmem:$0x18800] =	vst v63  }
0x75: {  	s7 =	smov.u32 s6;
	s2 =	smov.u32 s12;
	p0 =	sne.s32 s6, $0xBF0  }
.Ltmp11:
0x76: {  	s6 =	sadd.s32 $0x10, s6;
	(pc) =	sbr.rel @p0 .LBB2_16-.Ltmp11, $2  }
0x77: {  	_ =	sdelay $0x2  }
0x78: {  	s12 =	sadd.s32 $0x200, s12;
	s13 =	sadd.s32 s7, s1  }
0x79: {  	[hbm4b:s13+s3] =	stream.linear.scatter [tilespmem:s2], [sflag:$0x1], $0x80, $0x38;
	[tilespmem:$0x18800] =	vst v63  }
.LBB2_18:
0x7a: {  	(v2sf) =	vpush v0, $0x4;
	_ =	sdelay $0xe  }
0x7b: {  	s1 =	spop (v2sf)  }
0x7c: {  	s25 =	ssub.s32 s1, s5  }
0x7d: {  	p0 =	sgt.u32 s25, $0x3  }
.Ltmp12:
0x7e: {  	_ = 	snop;
	(pc) =	sbr.rel @p0 .LBB2_22-.Ltmp12, $1  }
0x7f: {  	_ =	sdelay $0x3  }
0x80: {  	s2 =	sshll.u32 s25, $0x9  }
0x81: {  	s1 =	sadd.s32 s0, s10;
	s2 =	sshra.s32 s2, $0x2  }
0x82: {  	s6 =	simm.s32 $0x10;
	s13 =	sadd.s32 $0x0, s1;
	s12 =	sadd.s32 $0x200, s2  }
.LBB2_20:
0x83: {  	[hbm4b:s13+s3] =	stream.linear.scatter [tilespmem:s2], [sflag:$0x1], $0x80, $0x38;
	[tilespmem:$0x18800] =	vst v63  }
0x84: {  	s7 =	smov.u32 s6;
	s2 =	smov.u32 s12;
	p0 =	sne.s32 s6, $0xBF0  }
.Ltmp13:
0x85: {  	s6 =	sadd.s32 $0x10, s6;
	(pc) =	sbr.rel @p0 .LBB2_20-.Ltmp13, $2  }
0x86: {  	_ =	sdelay $0x2  }
0x87: {  	s12 =	sadd.s32 $0x200, s12;
	s13 =	sadd.s32 s7, s1  }
0x88: {  	[hbm4b:s13+s3] =	stream.linear.scatter [tilespmem:s2], [sflag:$0x1], $0x80, $0x38;
	[tilespmem:$0x18800] =	vst v63  }
.LBB2_22:
0x89: {  	(v2sf) =	vpush v0, $0x5;
	_ =	sdelay $0xe  }
0x8a: {  	s1 =	spop (v2sf)  }
0x8b: {  	s26 =	ssub.s32 s1, s5  }
0x8c: {  	p0 =	sgt.u32 s26, $0x3  }
.Ltmp14:
0x8d: {  	_ = 	snop;
	(pc) =	sbr.rel @p0 .LBB2_26-.Ltmp14, $1  }
0x8e: {  	_ =	sdelay $0x3  }
0x8f: {  	s1 =	sshll.u32 s26, $0x9  }
0x90: {  	s0 =	sadd.s32 s0, s11;
	s1 =	sshra.s32 s1, $0x2  }
0x91: {  	s2 =	simm.s32 $0x10;
	s12 =	sadd.s32 $0x0, s0;
	s6 =	sadd.s32 $0x200, s1  }
.LBB2_24:
0x92: {  	[hbm4b:s12+s3] =	stream.linear.scatter [tilespmem:s1], [sflag:$0x1], $0x80, $0x38;
	[tilespmem:$0x18800] =	vst v63  }
0x93: {  	s7 =	smov.u32 s2;
	s1 =	smov.u32 s6;
	p0 =	sne.s32 s2, $0xBF0  }
.Ltmp15:
0x94: {  	s2 =	sadd.s32 $0x10, s2;
	(pc) =	sbr.rel @p0 .LBB2_24-.Ltmp15, $2  }
0x95: {  	_ =	sdelay $0x2  }
0x96: {  	s6 =	sadd.s32 $0x200, s6;
	s12 =	sadd.s32 s7, s0  }
0x97: {  	[hbm4b:s12+s3] =	stream.linear.scatter [tilespmem:s1], [sflag:$0x1], $0x80, $0x38;
	[tilespmem:$0x18800] =	vst v63  }
.LBB2_26:
0x98: {  	(v2sf) =	vpush v0, $0x6;
	_ =	sdelay $0xe  }
0x99: {  	s0 =	spop (v2sf)  }
0x9a: {  	s28 =	ssub.s32 s0, s5  }
0x9b: {  	p0 =	sgt.u32 s28, $0x3  }
.Ltmp16:
0x9c: {  	_ = 	snop;
	(pc) =	sbr.rel @p0 .LBB2_30-.Ltmp16, $3  }
0x9d: {  	_ = 	snop  }
0x9e: {  	s31 =	smul.u32 $0x60000, s19;
	_ =	sdelay $0x1  }
0x9f: {  	s30 =	sshrl.u32 s31, $0x3  }
0xa0: {  	s0 =	sadd.s32 s4, s30;
	s1 =	sshll.u32 s28, $0x9  }
0xa1: {  	s0 =	sadd.s32 $0x4800, s0;
	s1 =	sshra.s32 s1, $0x2  }
0xa2: {  	s2 =	simm.s32 $0x10;
	s12 =	sadd.s32 $0x0, s0;
	s6 =	sadd.s32 $0x200, s1  }
.LBB2_28:
0xa3: {  	[hbm4b:s12+s3] =	stream.linear.scatter [tilespmem:s1], [sflag:$0x1], $0x80, $0x38;
	[tilespmem:$0x18800] =	vst v63  }
0xa4: {  	s7 =	smov.u32 s2;
	s1 =	smov.u32 s6;
	p0 =	sne.s32 s2, $0xBF0  }
.Ltmp17:
0xa5: {  	s2 =	sadd.s32 $0x10, s2;
	(pc) =	sbr.rel @p0 .LBB2_28-.Ltmp17, $2  }
0xa6: {  	_ =	sdelay $0x2  }
0xa7: {  	s6 =	sadd.s32 $0x200, s6;
	s12 =	sadd.s32 s7, s0  }
0xa8: {  	[hbm4b:s12+s3] =	stream.linear.scatter [tilespmem:s1], [sflag:$0x1], $0x80, $0x38;
	[tilespmem:$0x18800] =	vst v63  }
.LBB2_30:
0xa9: {  	(v2sf) =	vpush v0, $0x7;
	_ =	sdelay $0xe  }
0xaa: {  	s0 =	spop (v2sf)  }
0xab: {  	s29 =	ssub.s32 s0, s5  }
0xac: {  	p0 =	sgt.u32 s29, $0x3  }
.Ltmp18:
0xad: {  	_ = 	snop;
	(pc) =	sbr.rel @p0 .LBB2_34-.Ltmp18, $1  }
0xae: {  	_ =	sdelay $0x3  }
0xaf: {  	s0 =	sadd.s32 s4, s30;
	s1 =	sshll.u32 s29, $0x9  }
0xb0: {  	s0 =	sadd.s32 $0x5400, s0;
	s1 =	sshra.s32 s1, $0x2  }
0xb1: {  	s2 =	simm.s32 $0x10;
	s12 =	sadd.s32 $0x0, s0;
	s6 =	sadd.s32 $0x200, s1  }
.LBB2_32:
0xb2: {  	[hbm4b:s12+s3] =	stream.linear.scatter [tilespmem:s1], [sflag:$0x1], $0x80, $0x38;
	[tilespmem:$0x18800] =	vst v63  }
0xb3: {  	s7 =	smov.u32 s2;
	s1 =	smov.u32 s6;
	p0 =	sne.s32 s2, $0xBF0  }
.Ltmp19:
0xb4: {  	s2 =	sadd.s32 $0x10, s2;
	(pc) =	sbr.rel @p0 .LBB2_32-.Ltmp19, $2  }
0xb5: {  	_ =	sdelay $0x2  }
0xb6: {  	s6 =	sadd.s32 $0x200, s6;
	s12 =	sadd.s32 s7, s0  }
0xb7: {  	[hbm4b:s12+s3] =	stream.linear.scatter [tilespmem:s1], [sflag:$0x1], $0x80, $0x38;
	[tilespmem:$0x18800] =	vst v63  }
.LBB2_34:
0xb8: {  	(v2sf) =	vpush v0, $0x8;
	_ =	sdelay $0xe  }
0xb9: {  	s0 =	spop (v2sf)  }
0xba: {  	s31 =	ssub.s32 s0, s5  }
0xbb: {  	p0 =	sgt.u32 s31, $0x3  }
.Ltmp20:
0xbc: {  	_ = 	snop;
	(pc) =	sbr.rel @p0 .LBB2_38-.Ltmp20, $1  }
0xbd: {  	_ =	sdelay $0x3  }
0xbe: {  	s0 =	sadd.s32 s4, s30;
	s1 =	sshll.u32 s31, $0x9  }
0xbf: {  	s0 =	sadd.s32 $0x6000, s0;
	s1 =	sshra.s32 s1, $0x2  }
0xc0: {  	s2 =	simm.s32 $0x10;
	s12 =	sadd.s32 $0x0, s0;
	s6 =	sadd.s32 $0x200, s1  }
.LBB2_36:
0xc1: {  	[hbm4b:s12+s3] =	stream.linear.scatter [tilespmem:s1], [sflag:$0x1], $0x80, $0x38;
	[tilespmem:$0x18800] =	vst v63  }
0xc2: {  	s7 =	smov.u32 s2;
	s1 =	smov.u32 s6;
	p0 =	sne.s32 s2, $0xBF0  }
.Ltmp21:
0xc3: {  	s2 =	sadd.s32 $0x10, s2;
	(pc) =	sbr.rel @p0 .LBB2_36-.Ltmp21, $2  }
0xc4: {  	_ =	sdelay $0x2  }
0xc5: {  	s6 =	sadd.s32 $0x200, s6;
	s12 =	sadd.s32 s7, s0  }
0xc6: {  	[hbm4b:s12+s3] =	stream.linear.scatter [tilespmem:s1], [sflag:$0x1], $0x80, $0x38;
	[tilespmem:$0x18800] =	vst v63  }
.LBB2_38:
0xc7: {  	(v2sf) =	vpush v0, $0x9;
	_ =	sdelay $0xe  }
0xc8: {  	s0 =	spop (v2sf)  }
0xc9: {  	s0 =	ssub.s32 s0, s5  }
0xca: {  	p0 =	sgt.u32 s0, $0x3  }
.Ltmp22:
0xcb: {  	_ = 	snop;
	(pc) =	sbr.rel @p0 .LBB2_42-.Ltmp22, $1  }
0xcc: {  	_ =	sdelay $0x3  }
0xcd: {  	s1 =	sadd.s32 s4, s30;
	s2 =	sshll.u32 s0, $0x9  }
0xce: {  	s1 =	sadd.s32 $0x6C00, s1;
	s2 =	sshra.s32 s2, $0x2  }
0xcf: {  	s6 =	simm.s32 $0x10;
	s13 =	sadd.s32 $0x0, s1;
	s12 =	sadd.s32 $0x200, s2  }
.LBB2_40:
0xd0: {  	[hbm4b:s13+s3] =	stream.linear.scatter [tilespmem:s2], [sflag:$0x1], $0x80, $0x38;
	[tilespmem:$0x18800] =	vst v63  }
0xd1: {  	s7 =	smov.u32 s6;
	s2 =	smov.u32 s12;
	p0 =	sne.s32 s6, $0xBF0  }
.Ltmp23:
0xd2: {  	s6 =	sadd.s32 $0x10, s6;
	(pc) =	sbr.rel @p0 .LBB2_40-.Ltmp23, $2  }
0xd3: {  	_ =	sdelay $0x2  }
0xd4: {  	s12 =	sadd.s32 $0x200, s12;
	s13 =	sadd.s32 s7, s1  }
0xd5: {  	[hbm4b:s13+s3] =	stream.linear.scatter [tilespmem:s2], [sflag:$0x1], $0x80, $0x38;
	[tilespmem:$0x18800] =	vst v63  }
.LBB2_42:
0xd6: {  	(v2sf) =	vpush v0, $0xA;
	_ =	sdelay $0xe  }
0xd7: {  	s1 =	spop (v2sf)  }
0xd8: {  	s2 =	ssub.s32 s1, s5  }
0xd9: {  	p0 =	sgt.u32 s2, $0x3  }
.Ltmp24:
0xda: {  	_ = 	snop;
	(pc) =	sbr.rel @p0 .LBB2_46-.Ltmp24, $1  }
0xdb: {  	_ =	sdelay $0x3  }
0xdc: {  	s1 =	sadd.s32 s4, s30;
	s6 =	sshll.u32 s2, $0x9  }
0xdd: {  	s1 =	sadd.s32 $0x7800, s1;
	s6 =	sshra.s32 s6, $0x2  }
0xde: {  	s12 =	simm.s32 $0x10;
	s14 =	sadd.s32 $0x0, s1;
	s13 =	sadd.s32 $0x200, s6  }
.LBB2_44:
0xdf: {  	[hbm4b:s14+s3] =	stream.linear.scatter [tilespmem:s6], [sflag:$0x1], $0x80, $0x38;
	[tilespmem:$0x18800] =	vst v63  }
0xe0: {  	s7 =	smov.u32 s12;
	s6 =	smov.u32 s13;
	p0 =	sne.s32 s12, $0xBF0  }
.Ltmp25:
0xe1: {  	s12 =	sadd.s32 $0x10, s12;
	(pc) =	sbr.rel @p0 .LBB2_44-.Ltmp25, $2  }
0xe2: {  	_ =	sdelay $0x2  }
0xe3: {  	s13 =	sadd.s32 $0x200, s13;
	s14 =	sadd.s32 s7, s1  }
0xe4: {  	[hbm4b:s14+s3] =	stream.linear.scatter [tilespmem:s6], [sflag:$0x1], $0x80, $0x38;
	[tilespmem:$0x18800] =	vst v63  }
.LBB2_46:
0xe5: {  	(v2sf) =	vpush v0, $0xB;
	_ =	sdelay $0xe  }
0xe6: {  	s1 =	spop (v2sf)  }
0xe7: {  	s1 =	ssub.s32 s1, s5  }
0xe8: {  	p0 =	sgt.u32 s1, $0x3  }
.Ltmp26:
0xe9: {  	_ = 	snop;
	(pc) =	sbr.rel @p0 .LBB2_50-.Ltmp26, $1  }
0xea: {  	_ =	sdelay $0x3  }
0xeb: {  	s6 =	sadd.s32 s4, s30;
	s7 =	sshll.u32 s1, $0x9  }
0xec: {  	s6 =	sadd.s32 $0x8400, s6;
	s13 =	sshra.s32 s7, $0x2  }
0xed: {  	s12 =	simm.s32 $0x10;
	s15 =	sadd.s32 $0x0, s6;
	s14 =	sadd.s32 $0x200, s13  }
.LBB2_48:
0xee: {  	[hbm4b:s15+s3] =	stream.linear.scatter [tilespmem:s13], [sflag:$0x1], $0x80, $0x38;
	[tilespmem:$0x18800] =	vst v63  }
0xef: {  	s7 =	smov.u32 s12;
	s13 =	smov.u32 s14;
	p0 =	sne.s32 s12, $0xBF0  }
.Ltmp27:
0xf0: {  	s12 =	sadd.s32 $0x10, s12;
	(pc) =	sbr.rel @p0 .LBB2_48-.Ltmp27, $2  }
0xf1: {  	_ =	sdelay $0x2  }
0xf2: {  	s14 =	sadd.s32 $0x200, s14;
	s15 =	sadd.s32 s7, s6  }
0xf3: {  	[hbm4b:s15+s3] =	stream.linear.scatter [tilespmem:s13], [sflag:$0x1], $0x80, $0x38;
	[tilespmem:$0x18800] =	vst v63  }
.LBB2_50:
0xf4: {  	(v2sf) =	vpush v0, $0xC;
	_ =	sdelay $0xe  }
0xf5: {  	s6 =	spop (v2sf)  }
0xf6: {  	s13 =	ssub.s32 s6, s5  }
0xf7: {  	p0 =	sgt.u32 s13, $0x3  }
.Ltmp28:
0xf8: {  	_ = 	snop;
	(pc) =	sbr.rel @p0 .LBB2_54-.Ltmp28, $1  }
0xf9: {  	_ =	sdelay $0x3  }
0xfa: {  	s6 =	sadd.s32 s4, s30;
	s7 =	sshll.u32 s13, $0x9  }
0xfb: {  	s6 =	sadd.s32 $0x9000, s6;
	s14 =	sshra.s32 s7, $0x2  }
0xfc: {  	s12 =	simm.s32 $0x10;
	s16 =	sadd.s32 $0x0, s6;
	s15 =	sadd.s32 $0x200, s14  }
.LBB2_52:
0xfd: {  	[hbm4b:s16+s3] =	stream.linear.scatter [tilespmem:s14], [sflag:$0x1], $0x80, $0x38;
	[tilespmem:$0x18800] =	vst v63  }
0xfe: {  	s7 =	smov.u32 s12;
	s14 =	smov.u32 s15;
	p0 =	sne.s32 s12, $0xBF0  }
.Ltmp29:
0xff: {  	s12 =	sadd.s32 $0x10, s12;
	(pc) =	sbr.rel @p0 .LBB2_52-.Ltmp29, $2  }
0x100: {  	_ =	sdelay $0x2  }
0x101: {  	s15 =	sadd.s32 $0x200, s15;
	s16 =	sadd.s32 s7, s6  }
0x102: {  	[hbm4b:s16+s3] =	stream.linear.scatter [tilespmem:s14], [sflag:$0x1], $0x80, $0x38;
	[tilespmem:$0x18800] =	vst v63  }
.LBB2_54:
0x103: {  	(v2sf) =	vpush v0, $0xD;
	_ =	sdelay $0xe  }
0x104: {  	s6 =	spop (v2sf)  }
0x105: {  	s14 =	ssub.s32 s6, s5  }
0x106: {  	p0 =	sgt.u32 s14, $0x3  }
.Ltmp30:
0x107: {  	_ = 	snop;
	(pc) =	sbr.rel @p0 .LBB2_58-.Ltmp30, $1  }
0x108: {  	_ =	sdelay $0x3  }
0x109: {  	s6 =	sadd.s32 s4, s30;
	s7 =	sshll.u32 s14, $0x9  }
0x10a: {  	s6 =	sadd.s32 $0x9C00, s6;
	s16 =	sshra.s32 s7, $0x2  }
0x10b: {  	s12 =	simm.s32 $0x10;
	s18 =	sadd.s32 $0x0, s6;
	s15 =	sadd.s32 $0x200, s16  }
.LBB2_56:
0x10c: {  	[hbm4b:s18+s3] =	stream.linear.scatter [tilespmem:s16], [sflag:$0x1], $0x80, $0x38;
	[tilespmem:$0x18800] =	vst v63  }
0x10d: {  	s7 =	smov.u32 s12;
	s16 =	smov.u32 s15;
	p0 =	sne.s32 s12, $0xBF0  }
.Ltmp31:
0x10e: {  	s12 =	sadd.s32 $0x10, s12;
	(pc) =	sbr.rel @p0 .LBB2_56-.Ltmp31, $2  }
0x10f: {  	_ =	sdelay $0x2  }
0x110: {  	s15 =	sadd.s32 $0x200, s15;
	s18 =	sadd.s32 s7, s6  }
0x111: {  	[hbm4b:s18+s3] =	stream.linear.scatter [tilespmem:s16], [sflag:$0x1], $0x80, $0x38;
	[tilespmem:$0x18800] =	vst v63  }
.LBB2_58:
0x112: {  	(v2sf) =	vpush v0, $0xE;
	_ =	sdelay $0xe  }
0x113: {  	s6 =	spop (v2sf)  }
0x114: {  	s16 =	ssub.s32 s6, s5  }
0x115: {  	p0 =	sgt.u32 s16, $0x3  }
.Ltmp32:
0x116: {  	_ = 	snop;
	(pc) =	sbr.rel @p0 .LBB2_62-.Ltmp32, $1  }
0x117: {  	_ =	sdelay $0x3  }
0x118: {  	s6 =	sadd.s32 s4, s30;
	s7 =	sshll.u32 s16, $0x9  }
0x119: {  	s6 =	sadd.s32 $0xA800, s6;
	s12 =	sshra.s32 s7, $0x2  }
0x11a: {  	s15 =	simm.s32 $0x10;
	s7 =	sadd.s32 $0x0, s6;
	s18 =	sadd.s32 $0x200, s12  }
.LBB2_60:
0x11b: {  	[hbm4b:s7+s3] =	stream.linear.scatter [tilespmem:s12], [sflag:$0x1], $0x80, $0x38;
	[tilespmem:$0x18800] =	vst v63  }
0x11c: {  	s7 =	smov.u32 s15;
	s12 =	smov.u32 s18;
	p0 =	sne.s32 s15, $0xBF0  }
.Ltmp33:
0x11d: {  	s15 =	sadd.s32 $0x10, s15;
	(pc) =	sbr.rel @p0 .LBB2_60-.Ltmp33, $2  }
0x11e: {  	_ =	sdelay $0x2  }
0x11f: {  	s18 =	sadd.s32 $0x200, s18;
	s7 =	sadd.s32 s7, s6  }
0x120: {  	[hbm4b:s7+s3] =	stream.linear.scatter [tilespmem:s12], [sflag:$0x1], $0x80, $0x38;
	[tilespmem:$0x18800] =	vst v63  }
.LBB2_62:
0x121: {  	(v2sf) =	vpush v0, $0xF;
	_ =	sdelay $0xe  }
0x122: {  	s6 =	spop (v2sf)  }
0x123: {  	s6 =	ssub.s32 s6, s5  }
0x124: {  	p0 =	sgt.u32 s6, $0x3  }
.Ltmp34:
0x125: {  	_ = 	snop;
	(pc) =	sbr.rel @p0 .LBB2_66-.Ltmp34, $1  }
0x126: {  	_ =	sdelay $0x3  }
0x127: {  	s7 =	sadd.s32 s4, s30;
	s12 =	sshll.u32 s6, $0x9  }
0x128: {  	s30 =	sadd.s32 $0xB400, s7;
	s12 =	sshra.s32 s12, $0x2  }
0x129: {  	s15 =	simm.s32 $0x10;
	s7 =	sadd.s32 $0x0, s30;
	s18 =	sadd.s32 $0x200, s12  }
.LBB2_64:
0x12a: {  	[hbm4b:s7+s3] =	stream.linear.scatter [tilespmem:s12], [sflag:$0x1], $0x80, $0x38;
	[tilespmem:$0x18800] =	vst v63  }
0x12b: {  	s7 =	smov.u32 s15;
	s12 =	smov.u32 s18;
	p0 =	sne.s32 s15, $0xBF0  }
.Ltmp35:
0x12c: {  	s15 =	sadd.s32 $0x10, s15;
	(pc) =	sbr.rel @p0 .LBB2_64-.Ltmp35, $2  }
0x12d: {  	_ =	sdelay $0x2  }
0x12e: {  	s18 =	sadd.s32 $0x200, s18;
	s7 =	sadd.s32 s7, s30  }
.Ltmp36:
0x12f: {  	(pc) =	sbr.rel .LBB2_66-.Ltmp36, $2  }
0x130: {  	_ =	sdelay $0x2  }
0x131: {  	[hbm4b:s7+s3] =	stream.linear.scatter [tilespmem:s12], [sflag:$0x1], $0x80, $0x38;
	[tilespmem:$0x18800] =	vst v63  }
.LBB2_67:
0x132: {  	p0 =	sgt.s32 s20, $0x0  }
.Ltmp37:
0x133: {  	_ = 	snop;
	(pc) =	sbr.rel @!p0 .LBB2_71-.Ltmp37, $2  }
0x134: {  	_ =	sdelay $0x2  }
0x135: {  	s0 =	simm.s32 $0x0;
	s1 =	rddreg [dreg:$0x7]  }
0x136: {  	s0 =	sadd.s32 $0x1, s0  }
0x137: {  	p0 =	slt.s32 s0, s20  }
.Ltmp38:
0x138: {  	_ = 	snop;
	(pc) =	sbr.rel @!p0 .LBB2_70-.Ltmp38, $3  }
0x139: {  	_ =	sdelay $0x1  }
0x13a: {  	_ =	swait.ge [sflag:s17], $0x6000  }
0x13b: {  	[sflag:s17] =	ssyncset.done $0x0  }
.LBB2_69:
0x13c: {  	s0 =	sadd.s32 $0x1, s0  }
0x13d: {  	[sflag:s17] =	ssyncadd.s32 $0xFFFFA000;
	p0 =	slt.s32 s0, s20  }
.Ltmp39:
0x13e: {  	(pc) =	sbr.rel @p0 .LBB2_69-.Ltmp39, $3  }
0x13f: {  	_ =	sdelay $0x1  }
0x140: {  	_ =	swait.ge [sflag:s17], $0x6000  }
0x141: {  	[sflag:s17] =	ssyncset.done $0x0  }
.Ltmp40:
0x142: {  	_ = 	snop;
	(pc) =	sbr.rel .LBB2_70-.Ltmp40, $1  }
0x143: {  	_ =	sdelay $0x3  }
.LBB2_72:
0x144: {  	_ =	sfence.sel $0x180000  }
0x145: {  	[bflag:$0x0] =	sbarrier.arrive $0xFFFF  }
0x146: {  	_ =	strace $0x90000047  }
0x147: {  	s0 =	stileid.u32;
	[bflag:$0x2] =	sbarrier.arrive $0xFFFF  }
0x148: {  	p0 =	sne.s32 s0, $0x0;
	s0 =	rddreg [dreg:$0x3]  }
0x149: {  	s0 =	sadd.s32 @!p0 $0x100000, s0  }
0x14a: {  	[sflag:s0] =	ssyncadd.tile.s32 @!p0 $0x1;
	_ =	shalt  }
.Lfunc_end2:
_tile_overlayer_lowered:
.L_overlay_start_2:
0x14b: {  	(tag) =	ssettag $0x2  }
0x14c: {  	s0 =	rddreg [dreg:$0x0];
	s2 =	stileid.u32  }
0x14d: {  	s1 =	rddreg [dreg:$0x1];
	p0 =	sne.s32 s2, $0x0  }
0x14e: {  	s3 =	rddreg [dreg:$0x2];
	[bflag:$0x3] =	sbarrier.arrive $0xFFFF;
	s2 =	simm.s32 @!p0 $0x1C02  }
0x14f: {  	[timem:s3], [sflag:s2] =	dma.local @!p0 [hbm:s0], s1  }
0x150: {  	s0 =	simm.s32 @!p0 $0x2  }
0x151: {  	_ =	swait.ge @!p0 [sflag:s0], s1  }
0x152: {  	s1 =	ssub.s32 @!p0 $0x0, s1;
	[sflag:s0] =	ssyncset.done @!p0 $0x0  }
0x153: {  	[sflag:s0] =	ssyncadd.s32 @!p0 s1  }
0x154: {  	[bflag:$0x3] =	sbarrier.arrive $0xFFFF  }
0x155: {  	_ =	shalt  }

</sc_bundles>
